<compile_context>
chip_gen: v7x
topology: tpu7x:2x2x1
jax: 0.10.2.dev20260603
libtpu: 0.0.44.dev20260713+nightly
codegen_flags: <defaults>
</compile_context>

<pallas_src>
import functools

import numpy as np
import jax
import jax.numpy as jnp
from jax import lax
from jax.experimental import pallas as pl
from jax.experimental.pallas import tpu as pltpu
from jax.experimental.pallas import tpu_sc as plsc

_OUT_DIM = 5
_NBASIS = _OUT_DIM * 16

_rng = np.random.RandomState(0)
_HASH_A = [int(v) for v in _rng.randint(1, 2**31 - 1, size=(_OUT_DIM,)).astype(np.int32)]
_HASH_B = [int(v) for v in _rng.randint(0, 2**31 - 1, size=(_OUT_DIM,)).astype(np.int32)]

_BATCH = 16384
_NCORES = 2
_NWORKERS = 16 * _NCORES
_BPW = _BATCH // _NWORKERS
_LANES = 16
_CHUNKS = _BPW // _LANES


def _embed_body(x_hbm, v_hbm, out_hbm, x_v, tab_v, out_v):
    wid = lax.axis_index("s") * _NCORES + lax.axis_index("c")
    base = wid * _BPW
    pltpu.sync_copy(x_hbm.at[pl.ds(base, _BPW)], x_v)
    pltpu.sync_copy(v_hbm, tab_v)

    @plsc.parallel_loop(0, _CHUNKS, unroll=2)
    def chunk(i):
        xi = x_v[pl.ds(i * _LANES, _LANES)]
        embeds = []
        for d in range(_OUT_DIM):
            h = xi * _HASH_A[d] + _HASH_B[d]
            r = lax.rem(h, _NBASIS)
            r = jnp.where(r < 0, r + _NBASIS, r)
            embeds.append(plsc.load_gather(tab_v, [r]))
        total = embeds[0]
        for d in range(1, _OUT_DIM):
            total = total + embeds[d]
        scale = jnp.float32(_OUT_DIM) / total
        for d in range(_OUT_DIM):
            out_v[d, pl.ds(i * _LANES, _LANES)] = embeds[d] * scale
    pltpu.sync_copy(out_v, out_hbm.at[:, pl.ds(base, _BPW)])


@jax.jit
def kernel(x, V):
    mesh = plsc.VectorSubcoreMesh(
        core_axis_name="c", subcore_axis_name="s", num_cores=_NCORES
    )
    run = functools.partial(
        pl.kernel,
        mesh=mesh,
        out_type=jax.ShapeDtypeStruct((_OUT_DIM, _BATCH), jnp.float32),
        compiler_params=pltpu.CompilerParams(needs_layout_passes=False),
        scratch_types=[
            pltpu.VMEM((_BPW,), jnp.int32),
            pltpu.VMEM((_NBASIS,), jnp.float32),
            pltpu.VMEM((_OUT_DIM, _BPW), jnp.float32),
        ],
    )(_embed_body)
    return run(x, V).T

# --- scband reference (transcript-rebuilt; emitter-appended) ---
"""Pipeline reference for scband-embedding-module-17145509445670 (READ-ONLY COPY).

The authoritative reference and input builder live on the scoring server;
editing this copy changes nothing except your own understanding.
"""

import jax, jax.numpy as jnp
import numpy as np

OUTPUT_DIM = 5
BASIS_NUM = OUTPUT_DIM * 16  # 80
CONS_LOWER = 0.001
CONS_UPPER = 1.0

# RandomHash(hash_seed=0, hash_range=BASIS_NUM): modeled as a family of
# affine modular hash functions, one per output dim, with constants drawn
# deterministically from seed 0.
_rs = np.random.RandomState(0)
HASH_A = jnp.asarray(_rs.randint(1, 2**31 - 1, size=(OUTPUT_DIM,)).astype(np.int32))
HASH_B = jnp.asarray(_rs.randint(0, 2**31 - 1, size=(OUTPUT_DIM,)).astype(np.int32))


def _random_hash(x):
    # x: int[batch] -> int[batch, OUTPUT_DIM] in [0, BASIS_NUM)
    xi = x.astype(jnp.int32)
    # int32 wraparound is deterministic and acts as part of the hash
    return jnp.mod(xi[:, None] * HASH_A[None, :] + HASH_B[None, :], BASIS_NUM)


def setup_inputs(seed: int = 0) -> dict:
    key = jax.random.key(seed)
    kx, kv = jax.random.split(key)
    x = jax.random.randint(kx, (16384,), 0, 1000000, dtype=jnp.int32)
    # V init: ones * (lower+upper)/2, plus noise/5, clamped to [lower, upper]
    V = jnp.ones((BASIS_NUM,), dtype=jnp.float32) * ((CONS_LOWER + CONS_UPPER) / 2.0)
    V = V + jax.random.normal(kv, (BASIS_NUM,), dtype=jnp.float32) / 5.0
    V = jnp.clip(V, CONS_LOWER, CONS_UPPER)
    return {"x": x, "V": V}


def reference(x, V):
    batch_size = x.shape[0]
    indexes = _random_hash(x).reshape(-1)
    embedding = V[indexes].reshape(batch_size, OUTPUT_DIM)
    embedding_norm = jnp.sum(embedding, axis=1, keepdims=True)
    embedding = embedding / jax.lax.stop_gradient(embedding_norm)
    return embedding * OUTPUT_DIM

if __name__ == "__main__":
    import jax
    _d = setup_inputs()
    print(jax.jit(kernel)(*tuple(_d.values())))

</pallas_src>

<mosaic_0001>
#map = affine_map<(d0, d1) -> (0)>
#map1 = affine_map<(d0, d1) -> (0, 0)>
module attributes {stable_mosaic.version = 14 : i64} {
  func.func @_embed_body(%arg0: i32, %arg1: i32, %arg2: memref<16384xi32, #tpu.memory_space<hbm>>, %arg3: memref<80xf32, #tpu.memory_space<hbm>>, %arg4: memref<5x16384xf32, #tpu.memory_space<hbm>>, %arg5: memref<512xi32, #tpu.memory_space<vmem>>, %arg6: memref<80xf32, #tpu.memory_space<vmem>>, %arg7: memref<5x512xf32, #tpu.memory_space<vmem>>) attributes {dimension_semantics = [#tpu.dimension_semantics<core_parallel>, #tpu.dimension_semantics<subcore_parallel>], iteration_bounds = array<i64: 2, 16>, scalar_prefetch = 0 : i64, scratch_operands = 3 : i64, tpu.core_type = #tpu.core_type<sc_vector_subcore>, window_params = [{transform_indices = #map}, {transform_indices = #map}, {transform_indices = #map1}]} {
    %mul3A = arith.constant 2 : i32
    %mul3A_0 = arith.muli %arg1, %mul3A : i32
    %add3A = arith.addi %mul3A_0, %arg0 : i32
    %mul3A_1 = arith.constant 512 : i32
    %mul3A_2 = arith.muli %add3A, %mul3A_1 : i32
    "tpu.region"() ({
      %run_scoped3A = tpu.sem_alloc : memref<!tpu.dma_semaphore, #tpu.memory_space<semaphore_mem>>
      %dma_start3A = tpu.memref_slice %arg2[%mul3A_2] : memref<16384xi32, #tpu.memory_space<hbm>> -> memref<512xi32, #tpu.memory_space<hbm>>
      %dma_start3A_5 = tpu.memref_slice %arg2[%mul3A_2] : memref<16384xi32, #tpu.memory_space<hbm>> -> memref<512xi32, #tpu.memory_space<hbm>>
      tpu.enqueue_dma source(%dma_start3A_5 : memref<512xi32, #tpu.memory_space<hbm>>) target(%arg5 : memref<512xi32, #tpu.memory_space<vmem>>) target_semaphore(%run_scoped3A : memref<!tpu.dma_semaphore, #tpu.memory_space<semaphore_mem>>)
      %dma_wait3A = tpu.memref_slice %arg2[%mul3A_2] : memref<16384xi32, #tpu.memory_space<hbm>> -> memref<512xi32, #tpu.memory_space<hbm>>
      %dma_wait3A_6 = tpu.memref_slice %arg2[%mul3A_2] : memref<16384xi32, #tpu.memory_space<hbm>> -> memref<512xi32, #tpu.memory_space<hbm>>
      tpu.wait_dma2 semaphore(%run_scoped3A : memref<!tpu.dma_semaphore, #tpu.memory_space<semaphore_mem>>) src(%dma_wait3A_6 : memref<512xi32, #tpu.memory_space<hbm>>) dst(%arg5 : memref<512xi32, #tpu.memory_space<vmem>>)
      tpu.yield
    }) : () -> ()
    "tpu.region"() ({
      %run_scoped3A = tpu.sem_alloc : memref<!tpu.dma_semaphore, #tpu.memory_space<semaphore_mem>>
      tpu.enqueue_dma source(%arg3 : memref<80xf32, #tpu.memory_space<hbm>>) target(%arg6 : memref<80xf32, #tpu.memory_space<vmem>>) target_semaphore(%run_scoped3A : memref<!tpu.dma_semaphore, #tpu.memory_space<semaphore_mem>>)
      tpu.wait_dma2 semaphore(%run_scoped3A : memref<!tpu.dma_semaphore, #tpu.memory_space<semaphore_mem>>) src(%arg3 : memref<80xf32, #tpu.memory_space<hbm>>) dst(%arg6 : memref<80xf32, #tpu.memory_space<vmem>>)
      tpu.yield
    }) : () -> ()
    %parallel_loop3A = arith.constant 0 : i32
    %parallel_loop3A_3 = arith.constant 32 : i32
    %parallel_loop3A_4 = arith.constant 1 : i32
    scf.for %parallel_loop3A_5 = %parallel_loop3A to %parallel_loop3A_3 step %parallel_loop3A_4  : i32 {
      %parallel_loop3A_6 = arith.constant 16 : i32
      %parallel_loop3A_7 = arith.muli %parallel_loop3A_5, %parallel_loop3A_6 : i32
      %parallel_loop3A_8 = arith.index_cast %parallel_loop3A_7 : i32 to index
      %parallel_loop3A_9 = tpu.vector_load %arg5[%parallel_loop3A_8] {strides = array<i32>} : memref<512xi32, #tpu.memory_space<vmem>>, vector<16xi32>,
      %parallel_loop3A_10 = arith.constant 209652397 : i32
      %parallel_loop3A_11 = vector.broadcast %parallel_loop3A_10 : i32 to vector<16xi32>
      %parallel_loop3A_12 = arith.muli %parallel_loop3A_9, %parallel_loop3A_11 : vector<16xi32>
      %parallel_loop3A_13 = arith.constant 1537364731 : i32
      %parallel_loop3A_14 = vector.broadcast %parallel_loop3A_13 : i32 to vector<16xi32>
      %parallel_loop3A_15 = arith.addi %parallel_loop3A_12, %parallel_loop3A_14 : vector<16xi32>
      %parallel_loop3A_16 = arith.constant 80 : i32
      %parallel_loop3A_17 = vector.broadcast %parallel_loop3A_16 : i32 to vector<16xi32>
      %parallel_loop3A_18 = arith.remsi %parallel_loop3A_15, %parallel_loop3A_17 : vector<16xi32>
      %parallel_loop3A_19 = arith.constant 0 : i32
      %parallel_loop3A_20 = vector.broadcast %parallel_loop3A_19 : i32 to vector<16xi32>
      %parallel_loop3A_21 = arith.cmpi slt, %parallel_loop3A_18, %parallel_loop3A_20 : vector<16xi32>
      %parallel_loop3A_22 = arith.constant 80 : i32
      %parallel_loop3A_23 = vector.broadcast %parallel_loop3A_22 : i32 to vector<16xi32>
      %parallel_loop3A_24 = arith.addi %parallel_loop3A_18, %parallel_loop3A_23 : vector<16xi32>
      %parallel_loop3A_25 = arith.select %parallel_loop3A_21, %parallel_loop3A_24, %parallel_loop3A_18 : vector<16xi1>, vector<16xi32>
      %parallel_loop3A_26 = tpu.vector_load_idx %arg6[%parallel_loop3A_25] : memref<80xf32, #tpu.memory_space<vmem>>[vector<16xi32>], vector<16xf32>,
      %parallel_loop3A_27 = arith.constant 398764592 : i32
      %parallel_loop3A_28 = vector.broadcast %parallel_loop3A_27 : i32 to vector<16xi32>
      %parallel_loop3A_29 = arith.muli %parallel_loop3A_9, %parallel_loop3A_28 : vector<16xi32>
      %parallel_loop3A_30 = arith.constant 192771779 : i32
      %parallel_loop3A_31 = vector.broadcast %parallel_loop3A_30 : i32 to vector<16xi32>
      %parallel_loop3A_32 = arith.addi %parallel_loop3A_29, %parallel_loop3A_31 : vector<16xi32>
      %parallel_loop3A_33 = arith.constant 80 : i32
      %parallel_loop3A_34 = vector.broadcast %parallel_loop3A_33 : i32 to vector<16xi32>
      %parallel_loop3A_35 = arith.remsi %parallel_loop3A_32, %parallel_loop3A_34 : vector<16xi32>
      %parallel_loop3A_36 = arith.constant 0 : i32
      %parallel_loop3A_37 = vector.broadcast %parallel_loop3A_36 : i32 to vector<16xi32>
      %parallel_loop3A_38 = arith.cmpi slt, %parallel_loop3A_35, %parallel_loop3A_37 : vector<16xi32>
      %parallel_loop3A_39 = arith.constant 80 : i32
      %parallel_loop3A_40 = vector.broadcast %parallel_loop3A_39 : i32 to vector<16xi32>
      %parallel_loop3A_41 = arith.addi %parallel_loop3A_35, %parallel_loop3A_40 : vector<16xi32>
      %parallel_loop3A_42 = arith.select %parallel_loop3A_38, %parallel_loop3A_41, %parallel_loop3A_35 : vector<16xi1>, vector<16xi32>
      %parallel_loop3A_43 = tpu.vector_load_idx %arg6[%parallel_loop3A_42] : memref<80xf32, #tpu.memory_space<vmem>>[vector<16xi32>], vector<16xf32>,
      %parallel_loop3A_44 = arith.constant 924231286 : i32
      %parallel_loop3A_45 = vector.broadcast %parallel_loop3A_44 : i32 to vector<16xi32>
      %parallel_loop3A_46 = arith.muli %parallel_loop3A_9, %parallel_loop3A_45 : vector<16xi32>
      %parallel_loop3A_47 = arith.constant 1491434855 : i32
      %parallel_loop3A_48 = vector.broadcast %parallel_loop3A_47 : i32 to vector<16xi32>
      %parallel_loop3A_49 = arith.addi %parallel_loop3A_46, %parallel_loop3A_48 : vector<16xi32>
      %parallel_loop3A_50 = arith.constant 80 : i32
      %parallel_loop3A_51 = vector.broadcast %parallel_loop3A_50 : i32 to vector<16xi32>
      %parallel_loop3A_52 = arith.remsi %parallel_loop3A_49, %parallel_loop3A_51 : vector<16xi32>
      %parallel_loop3A_53 = arith.constant 0 : i32
      %parallel_loop3A_54 = vector.broadcast %parallel_loop3A_53 : i32 to vector<16xi32>
      %parallel_loop3A_55 = arith.cmpi slt, %parallel_loop3A_52, %parallel_loop3A_54 : vector<16xi32>
      %parallel_loop3A_56 = arith.constant 80 : i32
      %parallel_loop3A_57 = vector.broadcast %parallel_loop3A_56 : i32 to vector<16xi32>
      %parallel_loop3A_58 = arith.addi %parallel_loop3A_52, %parallel_loop3A_57 : vector<16xi32>
      %parallel_loop3A_59 = arith.select %parallel_loop3A_55, %parallel_loop3A_58, %parallel_loop3A_52 : vector<16xi1>, vector<16xi32>
      %parallel_loop3A_60 = tpu.vector_load_idx %arg6[%parallel_loop3A_59] : memref<80xf32, #tpu.memory_space<vmem>>[vector<16xi32>], vector<16xf32>,
      %parallel_loop3A_61 = arith.constant 1478610113 : i32
      %parallel_loop3A_62 = vector.broadcast %parallel_loop3A_61 : i32 to vector<16xi32>
      %parallel_loop3A_63 = arith.muli %parallel_loop3A_9, %parallel_loop3A_62 : vector<16xi32>
      %parallel_loop3A_64 = arith.constant 1819583497 : i32
      %parallel_loop3A_65 = vector.broadcast %parallel_loop3A_64 : i32 to vector<16xi32>
      %parallel_loop3A_66 = arith.addi %parallel_loop3A_63, %parallel_loop3A_65 : vector<16xi32>
      %parallel_loop3A_67 = arith.constant 80 : i32
      %parallel_loop3A_68 = vector.broadcast %parallel_loop3A_67 : i32 to vector<16xi32>
      %parallel_loop3A_69 = arith.remsi %parallel_loop3A_66, %parallel_loop3A_68 : vector<16xi32>
      %parallel_loop3A_70 = arith.constant 0 : i32
      %parallel_loop3A_71 = vector.broadcast %parallel_loop3A_70 : i32 to vector<16xi32>
      %parallel_loop3A_72 = arith.cmpi slt, %parallel_loop3A_69, %parallel_loop3A_71 : vector<16xi32>
      %parallel_loop3A_73 = arith.constant 80 : i32
      %parallel_loop3A_74 = vector.broadcast %parallel_loop3A_73 : i32 to vector<16xi32>
      %parallel_loop3A_75 = arith.addi %parallel_loop3A_69, %parallel_loop3A_74 : vector<16xi32>
      %parallel_loop3A_76 = arith.select %parallel_loop3A_72, %parallel_loop3A_75, %parallel_loop3A_69 : vector<16xi1>, vector<16xi32>
      %parallel_loop3A_77 = tpu.vector_load_idx %arg6[%parallel_loop3A_76] : memref<80xf32, #tpu.memory_space<vmem>>[vector<16xi32>], vector<16xf32>,
      %parallel_loop3A_78 = arith.constant 441365316 : i32
      %parallel_loop3A_79 = vector.broadcast %parallel_loop3A_78 : i32 to vector<16xi32>
      %parallel_loop3A_80 = arith.muli %parallel_loop3A_9, %parallel_loop3A_79 : vector<16xi32>
      %parallel_loop3A_81 = arith.constant 530702035 : i32
      %parallel_loop3A_82 = vector.broadcast %parallel_loop3A_81 : i32 to vector<16xi32>
      %parallel_loop3A_83 = arith.addi %parallel_loop3A_80, %parallel_loop3A_82 : vector<16xi32>
      %parallel_loop3A_84 = arith.constant 80 : i32
      %parallel_loop3A_85 = vector.broadcast %parallel_loop3A_84 : i32 to vector<16xi32>
      %parallel_loop3A_86 = arith.remsi %parallel_loop3A_83, %parallel_loop3A_85 : vector<16xi32>
      %parallel_loop3A_87 = arith.constant 0 : i32
      %parallel_loop3A_88 = vector.broadcast %parallel_loop3A_87 : i32 to vector<16xi32>
      %parallel_loop3A_89 = arith.cmpi slt, %parallel_loop3A_86, %parallel_loop3A_88 : vector<16xi32>
      %parallel_loop3A_90 = arith.constant 80 : i32
      %parallel_loop3A_91 = vector.broadcast %parallel_loop3A_90 : i32 to vector<16xi32>
      %parallel_loop3A_92 = arith.addi %parallel_loop3A_86, %parallel_loop3A_91 : vector<16xi32>
      %parallel_loop3A_93 = arith.select %parallel_loop3A_89, %parallel_loop3A_92, %parallel_loop3A_86 : vector<16xi1>, vector<16xi32>
      %parallel_loop3A_94 = tpu.vector_load_idx %arg6[%parallel_loop3A_93] : memref<80xf32, #tpu.memory_space<vmem>>[vector<16xi32>], vector<16xf32>,
      %parallel_loop3A_95 = arith.addf %parallel_loop3A_26, %parallel_loop3A_43 : vector<16xf32>
      %parallel_loop3A_96 = arith.addf %parallel_loop3A_95, %parallel_loop3A_60 : vector<16xf32>
      %parallel_loop3A_97 = arith.addf %parallel_loop3A_96, %parallel_loop3A_77 : vector<16xf32>
      %parallel_loop3A_98 = arith.addf %parallel_loop3A_97, %parallel_loop3A_94 : vector<16xf32>
      %parallel_loop3A_99 = arith.constant 5.000000e+00 : f32
      %parallel_loop3A_100 = vector.broadcast %parallel_loop3A_99 : f32 to vector<16xf32>
      %parallel_loop3A_101 = arith.divf %parallel_loop3A_100, %parallel_loop3A_98 : vector<16xf32>
      %parallel_loop3A_102 = arith.mulf %parallel_loop3A_26, %parallel_loop3A_101 : vector<16xf32>
      %parallel_loop3A_103 = arith.constant 16 : i32
      %parallel_loop3A_104 = arith.muli %parallel_loop3A_5, %parallel_loop3A_103 : i32
      %parallel_loop3A_105 = arith.constant 0 : i32
      %parallel_loop3A_106 = arith.index_cast %parallel_loop3A_105 : i32 to index
      %parallel_loop3A_107 = arith.index_cast %parallel_loop3A_104 : i32 to index
      %parallel_loop3A_108 = tpu.vector_load %arg7[%parallel_loop3A_106, %parallel_loop3A_107] {strides = array<i32>} : memref<5x512xf32, #tpu.memory_space<vmem>>, vector<16xf32>,
      tpu.vector_store %arg7[%parallel_loop3A_106, %parallel_loop3A_107], %parallel_loop3A_102 {strides = array<i32>} : memref<5x512xf32, #tpu.memory_space<vmem>>, vector<16xf32>,
      %parallel_loop3A_109 = arith.mulf %parallel_loop3A_43, %parallel_loop3A_101 : vector<16xf32>
      %parallel_loop3A_110 = arith.constant 16 : i32
      %parallel_loop3A_111 = arith.muli %parallel_loop3A_5, %parallel_loop3A_110 : i32
      %parallel_loop3A_112 = arith.constant 1 : i32
      %parallel_loop3A_113 = arith.index_cast %parallel_loop3A_112 : i32 to index
      %parallel_loop3A_114 = arith.index_cast %parallel_loop3A_111 : i32 to index
      %parallel_loop3A_115 = tpu.vector_load %arg7[%parallel_loop3A_113, %parallel_loop3A_114] {strides = array<i32>} : memref<5x512xf32, #tpu.memory_space<vmem>>, vector<16xf32>,
      tpu.vector_store %arg7[%parallel_loop3A_113, %parallel_loop3A_114], %parallel_loop3A_109 {strides = array<i32>} : memref<5x512xf32, #tpu.memory_space<vmem>>, vector<16xf32>,
      %parallel_loop3A_116 = arith.mulf %parallel_loop3A_60, %parallel_loop3A_101 : vector<16xf32>
      %parallel_loop3A_117 = arith.constant 16 : i32
      %parallel_loop3A_118 = arith.muli %parallel_loop3A_5, %parallel_loop3A_117 : i32
      %parallel_loop3A_119 = arith.constant 2 : i32
      %parallel_loop3A_120 = arith.index_cast %parallel_loop3A_119 : i32 to index
      %parallel_loop3A_121 = arith.index_cast %parallel_loop3A_118 : i32 to index
      %parallel_loop3A_122 = tpu.vector_load %arg7[%parallel_loop3A_120, %parallel_loop3A_121] {strides = array<i32>} : memref<5x512xf32, #tpu.memory_space<vmem>>, vector<16xf32>,
      tpu.vector_store %arg7[%parallel_loop3A_120, %parallel_loop3A_121], %parallel_loop3A_116 {strides = array<i32>} : memref<5x512xf32, #tpu.memory_space<vmem>>, vector<16xf32>,
      %parallel_loop3A_123 = arith.mulf %parallel_loop3A_77, %parallel_loop3A_101 : vector<16xf32>
      %parallel_loop3A_124 = arith.constant 16 : i32
      %parallel_loop3A_125 = arith.muli %parallel_loop3A_5, %parallel_loop3A_124 : i32
      %parallel_loop3A_126 = arith.constant 3 : i32
      %parallel_loop3A_127 = arith.index_cast %parallel_loop3A_126 : i32 to index
      %parallel_loop3A_128 = arith.index_cast %parallel_loop3A_125 : i32 to index
      %parallel_loop3A_129 = tpu.vector_load %arg7[%parallel_loop3A_127, %parallel_loop3A_128] {strides = array<i32>} : memref<5x512xf32, #tpu.memory_space<vmem>>, vector<16xf32>,
      tpu.vector_store %arg7[%parallel_loop3A_127, %parallel_loop3A_128], %parallel_loop3A_123 {strides = array<i32>} : memref<5x512xf32, #tpu.memory_space<vmem>>, vector<16xf32>,
      %parallel_loop3A_130 = arith.mulf %parallel_loop3A_94, %parallel_loop3A_101 : vector<16xf32>
      %parallel_loop3A_131 = arith.constant 16 : i32
      %parallel_loop3A_132 = arith.muli %parallel_loop3A_5, %parallel_loop3A_131 : i32
      %parallel_loop3A_133 = arith.constant 4 : i32
      %parallel_loop3A_134 = arith.index_cast %parallel_loop3A_133 : i32 to index
      %parallel_loop3A_135 = arith.index_cast %parallel_loop3A_132 : i32 to index
      %parallel_loop3A_136 = tpu.vector_load %arg7[%parallel_loop3A_134, %parallel_loop3A_135] {strides = array<i32>} : memref<5x512xf32, #tpu.memory_space<vmem>>, vector<16xf32>,
      tpu.vector_store %arg7[%parallel_loop3A_134, %parallel_loop3A_135], %parallel_loop3A_130 {strides = array<i32>} : memref<5x512xf32, #tpu.memory_space<vmem>>, vector<16xf32>,
    } {sc.loop_unroll_factor = 2 : i64, sc.parallel_access}
    "tpu.region"() ({
      %run_scoped3A = tpu.sem_alloc : memref<!tpu.dma_semaphore, #tpu.memory_space<semaphore_mem>>
      %dma_start3A = arith.constant 0 : i32
      %dma_start3A_5 = tpu.memref_slice %arg4[%dma_start3A, %mul3A_2] : memref<5x16384xf32, #tpu.memory_space<hbm>> -> memref<5x512xf32, #tpu.memory_space<hbm>>
      %dma_start3A_6 = arith.constant 0 : i32
      %dma_start3A_7 = tpu.memref_slice %arg4[%dma_start3A_6, %mul3A_2] : memref<5x16384xf32, #tpu.memory_space<hbm>> -> memref<5x512xf32, #tpu.memory_space<hbm>>
      tpu.enqueue_dma source(%arg7 : memref<5x512xf32, #tpu.memory_space<vmem>>) target(%dma_start3A_7 : memref<5x512xf32, #tpu.memory_space<hbm>>) target_semaphore(%run_scoped3A : memref<!tpu.dma_semaphore, #tpu.memory_space<semaphore_mem>>)
      %dma_wait3A = arith.constant 0 : i32
      %dma_wait3A_8 = tpu.memref_slice %arg4[%dma_wait3A, %mul3A_2] : memref<5x16384xf32, #tpu.memory_space<hbm>> -> memref<5x512xf32, #tpu.memory_space<hbm>>
      %dma_wait3A_9 = arith.constant 0 : i32
      %dma_wait3A_10 = tpu.memref_slice %arg4[%dma_wait3A_9, %mul3A_2] : memref<5x16384xf32, #tpu.memory_space<hbm>> -> memref<5x512xf32, #tpu.memory_space<hbm>>
      tpu.wait_dma2 semaphore(%run_scoped3A : memref<!tpu.dma_semaphore, #tpu.memory_space<semaphore_mem>>) src(%arg7 : memref<5x512xf32, #tpu.memory_space<vmem>>) dst(%dma_wait3A_10 : memref<5x512xf32, #tpu.memory_space<hbm>>)
      tpu.yield
    }) : () -> ()
    return
  }
}

</mosaic_0001>

<sc_bundles>
// kernel: kernel.3.cloned.1.call-start
scs
__scs_entry_jumppad:
0x0: {  	(pc) =	sbr.rel $0x88, $3  }
0x1: {  	(tag) =	ssettag $0x0;
	lr =	simm.s32 $0x1  }
0x2: {  	[smem:$0x3F9F] =	sst lr;
	_ =	strace $0xD0000000  }
0x3: {  	_ = 	snop  }
0x4: {  	_ = 	snop  }
0x5: {  	_ = 	snop  }
0x6: {  	_ = 	snop  }
0x7: {  	_ = 	snop  }
__scs_overlays_trampoline_lowered:
0x8: {  	[smem:$0x3FAE] =	sst s0  }
0x9: {  	[smem:$0x3FAF] =	sst s1  }
0xa: {  	[smem:$0x3FB0] =	sst s2  }
0xb: {  	[smem:$0x3FB1] =	sst s3  }
0xc: {  	[smem:$0x3FB2] =	sst s4  }
0xd: {  	[smem:$0x3FB3] =	sst s5  }
0xe: {  	[smem:$0x3FB4] =	sst s6  }
0xf: {  	[smem:$0x3FB5] =	sst s7  }
0x10: {  	[smem:$0x3FB6] =	sst s8  }
0x11: {  	[smem:$0x3FB7] =	sst s9;
	s0 =	simm.s32 @!p0 $0x0  }
0x12: {  	s1 =	sld [smem:$0x3F9D];
	s0 =	simm.s32 @p0 $0x1  }
0x13: {  	[smem:$0x3FB8] =	sst s0;
	s0 =	simm.s32 @!p1 $0x0  }
0x14: {  	s2 =	sld [smem:$0x3F9C];
	s0 =	simm.s32 @p1 $0x1  }
0x15: {  	[smem:$0x3FB9] =	sst s0;
	s0 =	simm.s32 @!p2 $0x0  }
0x16: {  	s3 =	sld [smem:$0x3FDB];
	s0 =	simm.s32 @p2 $0x1  }
0x17: {  	s4 =	simm.s32 $0x1BF5;
	[smem:$0x3FBB] =	sst s0  }
0x18: {  	s0 =	sld [smem:$0x3F9E];
	_ =	swait.ge [sflag:s4], $0x0  }
0x19: {  	s7 =	sld [smem:$0x3F9F]  }
0x1a: {  	s8 =	sadd.s32 $0xFFFFE003, lr  }
0x1b: {  	s9 =	sadd.s32 $0xFFFFFEF7, lr;
	s5 =	simm.s32 $0xFFFFFFFF;
	p2 =	slt.u32 s8, $0xFFFFF086  }
0x1c: {  	p1 =	slt.u32 s9, $0xF7A;
	s5 =	simm.s32 @!p2 $0x0  }
0x1d: {  	s5 =	simm.s32 @p1 $0x1;
	p0 =	seq.s32 s7, s2  }
0x1e: {  	s7 =	smul.u32 @!p0 $0xF7A, s2;
	p2 =	seq.s32 @!p0 s5, $0x0  }
0x1f: {  	s9 =	smul.u32 $0xF7A, s1;
	s8 =	simm.s32 @!p0 $0x1BF5;
	p2 =	por !p2, p0  }
0x20: {  	[sflag:s8] =	ssyncset.s32 @!p0 $0xFFFFF086;
	s6 =	sadd.s32 @!p0 s3, s7;
	s7 =	simm.s32 @!p0 $0x108  }
0x21: {  	s3 =	sadd.s32 s3, s9;
	s6 =	sadd.s32 @!p0 $0x88, s6;
	s7 =	simm.s32 @p2 $0x1082  }
0x22: {  	[simem:s7], [sflag:s8] =	dma.local @!p0 [hbm:s6], $0xF7A  }
0x23: {  	s9 =	sor.u32 $0xD0000000, s2;
	s6 =	simm.s32 $0x108;
	_ =	swait.ge @!p0 [sflag:s8], $0x0  }
0x24: {  	s3 =	sadd.s32 $0x88, s3;
	s6 =	simm.s32 @!p1 $0x1082;
	[sflag:s4] =	ssyncset.s32 $0xFFFFF086  }
0x25: {  	[simem:s6], [sflag:s4] =	dma.local [hbm:s3], $0xF7A  }
0x26: {  	[smem:$0x3F9F] =	sst s1;
	(tag) =	ssettag s2;
	_ =	strace s9  }
0x27: {  	s1 =	sld [smem:$0x3FAF]  }
0x28: {  	s2 =	sld [smem:$0x3FB0]  }
0x29: {  	s4 =	sld [smem:$0x3FB2]  }
0x2a: {  	p0 =	seq.s32 s5, $0x0;
	s5 =	sld [smem:$0x3FB3]  }
0x2b: {  	s6 =	sld [smem:$0x3FB4]  }
0x2c: {  	s7 =	sld [smem:$0x3FB5]  }
0x2d: {  	s3 =	simm.s32 $0x108;
	s8 =	sld [smem:$0x3FB6]  }
0x2e: {  	s3 =	simm.s32 @!p0 $0x1082;
	s9 =	sld [smem:$0x3FB7]  }
0x2f: {  	lr =	sadd.s32 s0, s3;
	s0 =	sld [smem:$0x3FAE]  }
0x30: {  	s3 =	sld [smem:$0x3FB1]  }
0x31: {  	[smem:$0x3FBA] =	sst s10  }
0x32: {  	s10 =	sld [smem:$0x3FB8];
	_ =	sdelay $0x3  }
0x33: {  	p0 =	seq.s32 s10, $0x1;
	s10 =	sld [smem:$0x3FBA];
	_ =	sdelay $0x3  }
0x34: {  	[smem:$0x3FBA] =	sst s10  }
0x35: {  	s10 =	sld [smem:$0x3FB9];
	_ =	sdelay $0x3  }
0x36: {  	p1 =	seq.s32 s10, $0x1;
	s10 =	sld [smem:$0x3FBA];
	_ =	sdelay $0x3  }
0x37: {  	[smem:$0x3FBA] =	sst s10  }
0x38: {  	s10 =	sld [smem:$0x3FBB]  }
0x39: {  	_ = 	snop;
	(pc) =	sbr.ind lr, $3  }
0x3a: {  	_ = 	snop  }
0x3b: {  	_ = 	snop  }
0x3c: {  	p2 =	seq.s32 s10, $0x1;
	s10 =	sld [smem:$0x3FBA]  }
0x3d: {  	_ =	shalt  }
0x3e: {  	_ =	shalt  }
0x3f: {  	_ =	shalt  }
0x40: {  	_ =	shalt  }
0x41: {  	_ =	shalt  }
0x42: {  	_ =	shalt  }
0x43: {  	_ =	shalt  }
0x44: {  	_ =	shalt  }
0x45: {  	_ =	shalt  }
0x46: {  	_ =	shalt  }
0x47: {  	_ =	shalt  }
0x48: {  	_ =	shalt  }
0x49: {  	_ =	shalt  }
0x4a: {  	_ =	shalt  }
0x4b: {  	_ =	shalt  }
0x4c: {  	_ =	shalt  }
0x4d: {  	_ =	shalt  }
0x4e: {  	_ =	shalt  }
0x4f: {  	_ =	shalt  }
0x50: {  	_ =	shalt  }
0x51: {  	_ =	shalt  }
0x52: {  	_ =	shalt  }
0x53: {  	_ =	shalt  }
0x54: {  	_ =	shalt  }
0x55: {  	_ =	shalt  }
0x56: {  	_ =	shalt  }
0x57: {  	_ =	shalt  }
0x58: {  	_ =	shalt  }
0x59: {  	_ =	shalt  }
0x5a: {  	_ =	shalt  }
0x5b: {  	_ =	shalt  }
0x5c: {  	_ =	shalt  }
0x5d: {  	_ =	shalt  }
0x5e: {  	_ =	shalt  }
0x5f: {  	_ =	shalt  }
0x60: {  	_ =	shalt  }
0x61: {  	_ =	shalt  }
0x62: {  	_ =	shalt  }
0x63: {  	_ =	shalt  }
0x64: {  	_ =	shalt  }
0x65: {  	_ =	shalt  }
0x66: {  	_ =	shalt  }
0x67: {  	_ =	shalt  }
0x68: {  	_ =	shalt  }
0x69: {  	_ =	shalt  }
0x6a: {  	_ =	shalt  }
0x6b: {  	_ =	shalt  }
0x6c: {  	_ =	shalt  }
0x6d: {  	_ =	shalt  }
0x6e: {  	_ =	shalt  }
0x6f: {  	_ =	shalt  }
0x70: {  	_ =	shalt  }
0x71: {  	_ =	shalt  }
0x72: {  	_ =	shalt  }
0x73: {  	_ =	shalt  }
0x74: {  	_ =	shalt  }
0x75: {  	_ =	shalt  }
0x76: {  	_ =	shalt  }
0x77: {  	_ =	shalt  }
0x78: {  	_ =	shalt  }
0x79: {  	_ =	shalt  }
0x7a: {  	_ =	shalt  }
0x7b: {  	_ =	shalt  }
0x7c: {  	_ =	shalt  }
0x7d: {  	_ =	shalt  }
0x7e: {  	_ =	shalt  }
0x7f: {  	_ =	shalt  }
0x80: {  	_ =	shalt  }
0x81: {  	_ =	shalt  }
0x82: {  	_ =	shalt  }
0x83: {  	_ =	shalt  }
0x84: {  	_ =	shalt  }
0x85: {  	_ =	shalt  }
0x86: {  	_ =	shalt  }
0x87: {  	_ =	shalt  }
.Lfunc_end0:
.L_simem_size_0:
called_computation_lowered:
.L_overlay_start_0:
0x88: {  	s2 =	sld [smem:$0x3FD9]  }
0x89: {  	s3 =	sld [smem:$0x3FFE];
	_ =	sdelay $0x1  }
0x8a: {  	s1 =	srdreg.scid  }
0x8b: {  	s0 =	sand.u32 $0x1, s1  }
0x8c: {  	s18 =	sshll.u32 s0, $0xA;
	s2 =	sadd.s32 s3, s2  }
0x8d: {  	s2 =	sadd.s32 s2, s18  }
0x8e: {  	[smem:$0x3FC6] =	sst s2  }
0x8f: {  	_ = 	snop  }
0x90: {  	s2 =	sld [smem:$0x3FC9]  }
0x91: {  	s19 =	sld [smem:$0x3FC8]  }
0x92: {  	s4 =	sld [smem:$0x3FD0];
	(tm) =	ssettm $0x1  }
0x93: {  	s5 =	sld [smem:$0x3FFB];
	_ =	sdelay $0x3  }
0x94: {  	_ =	strace s5  }
0x95: {  	s5 =	sld [smem:$0x3FFC];
	_ =	sdelay $0x3  }
0x96: {  	_ =	strace s5  }
0x97: {  	s5 =	sld [smem:$0x3FFD];
	_ =	sdelay $0x3  }
0x98: {  	_ =	strace s5  }
0x99: {  	_ =	strace $0x8FFFFFFF  }
0x9a: {  	s20 =	sld [smem:$0x3FDB];
	_ =	sdelay $0x1  }
0x9b: {  	s6 =	simm.s32 $_scs_section_size  }
0x9c: {  	s7 =	simm.s32 $_size__tile_overlayer_lowered;
	s8 =	simm.s32 $_tile_overlayer_lowered  }
0x9d: {  	s23 =	simm.s32 $0x1BFF;
	s22 =	sshll.u32 s8, $0x1;
	s5 =	sadd.s32 s6, s20  }
0x9e: {  	s9 =	simm.s32 $0x0;
	s21 =	sshll.u32 s7, $0x1;
	s7 =	sadd.s32 s22, s5  }
0x9f: {  	[timem:s9], [sflag:s23] =	dma.local [hbm:s7], s21  }
0xa0: {  	_ =	swait.ge [sflag:s23], s21  }
0xa1: {  	s6 =	ssub.s32 $0x0, s21;
	[sflag:s23] =	ssyncset.done $0x0  }
0xa2: {  	[sflag:s23] =	ssyncadd.s32 s6;
	_ =	sdelay $0x1  }
0xa3: {  	s24 =	simm.s32 $0x1B8B  }
0xa4: {  	_ =	swait.ge [sflag:s24], $0x1  }
0xa5: {  	[sflag:s24] =	ssyncset.done $0x0  }
0xa6: {  	s25 =	simm.s32 $0x1B8E;
	[sflag:s24] =	ssyncadd.s32 $0xFFFFFFFF  }
0xa7: {  	s26 =	simm.s32 $execute0_lowered;
	[smem:$0x3FD2] =	sst s25  }
0xa8: {  	s6 =	sshll.u32 s26, $0x1;
	_ =	strace $0x80000046;
	[dreg:$0x1] =	wrdreg $0xFFFFFFFF  }
0xa9: {  	s28 =	simm.s32 $_size_execute0_lowered;
	s5 =	sadd.s32 s5, s6;
	[dreg:$0x0] =	wrdreg $0x0  }
0xaa: {  	s6 =	sshll.u32 s28, $0x1;
	[dreg:$0x2] =	wrdreg s5  }
0xab: {  	[dreg:$0x3] =	wrdreg s6  }
0xac: {  	[dreg:$0x4] =	wrdreg $0xC0  }
0xad: {  	_ =	task [dreg:s9], $0x5FFFF  }
0xae: {  	[dreg:$0x1] =	wrdreg $0xFFFFFFFF  }
0xaf: {  	[dreg:$0x0] =	wrdreg $0x60  }
0xb0: {  	[dreg:$0x2] =	wrdreg s2  }
0xb1: {  	[dreg:$0x3] =	wrdreg s19  }
0xb2: {  	[dreg:$0x4] =	wrdreg s4  }
0xb3: {  	[dreg:$0x5] =	wrdreg $0x9  }
0xb4: {  	_ =	task.clear_ibuf [dreg:s9], $0x6FFFF;
	_ =	strace $0x90000046  }
0xb5: {  	s29 =	simm.s32 $0x9;
	_ =	strace $0x80000048  }
0xb6: {  	_ =	swait.ge [sflag:s29], $0x1  }
0xb7: {  	[sflag:s29] =	ssyncadd.s32 $0xFFFFFFFF  }
0xb8: {  	_ =	strace $0x90000048  }
0xb9: {  	_ =	sfence  }
0xba: {  	s30 =	sld [smem:$0x0];
	_ =	sdelay $0x2  }
0xbb: {  	s31 =	sshll.u32 s1, $0xD;
	s1 =	sshrl.u32 s1, $0x2  }
0xbc: {  	s3 =	sand.u32 $0x4000, s31;
	s1 =	sadd.s32 s1, s30  }
0xbd: {  	s0 =	sor.u32 s3, s0;
	s1 =	sshll.u32 s1, $0x11  }
0xbe: {  	s0 =	sor.u32 s1, s0  }
0xbf: {  	s0 =	sadd.s32 $0x8F2B, s0  }
0xc0: {  	[sflag:s0] =	ssyncadd.remote.s32 $0x1  }
0xc1: {  	_ =	sfence.sel $0xFFFF  }
0xc2: {  	[dreg:$0x0] =	wrdreg $0xFFFFFFFF;
	(pc) =	sbr.abs _section_cstart, $3  }
0xc3: {  	[dreg:$0x1] =	wrdreg $0xFFFFFFFF  }
0xc4: {  	_ =	task.clear_ibuf [dreg:s9], $0x2FFFF;
	_ =	strace $0x9FFFFFFF  }
0xc5: {  	(tm) =	ssettm $0x7FFFFFFF  }
tec
execute0_lowered:
.L_overlay_start_1:
0x0: {  	(tag) =	ssettag $0x1  }
0x1: {  	s0 =	rddreg [dreg:$0x0]  }
0x2: {  	s1 =	srdreg.scid;
	s2 =	rddreg [dreg:$0x2]  }
0x3: {  	v0 =	vimm.s32 $0xECA86420;
	s3 =	stileid.u32;
	vm0 =	vcmask $0xB08;
	vm1 =	vcmask $0x1310;
	s6 =	simm.s32 $0x0;
	s1 =	sand.u32 $0x1, s1  }
0x4: {  	vm2 =	vcmask $0x1B18;
	vm3 =	vcmask $0x300;
	vm4 =	vcmask $0x2320;
	s3 =	sshll.u32 s3, $0xA;
	[smem:$0x7FF] =	sst s6;
	s4 =	sshll.u32 s1, $0x9  }
0x5: {  	vm5 =	vcmask $0x2B28;
	vm6 =	vcmask $0x3330;
	vm7 =	vcmask $0x3B38;
	s1 =	ssub.s32 $0x2, s1;
	_ =	strace $0x80000047;
	s3 =	sor.u32 s4, s3  }
0x6: {  	v1 =	vlaneseq.u32;
	vm8 =	vmmov $0xff;
	vm9 =	vcmask $0x704;
	s29 =	sshrl.u32 s1, $0x1;
	s5 =	sshrl.u32 s3, $0x3;
	s30 =	sadd.s32 s2, s3  }
0x7: {  	vm10 =	vcmask $0xF0C;
	vm11 =	vcmask $0x1714;
	v0 =	vunpack.c.l.s4.s8 v0;
	s1 =	ssub.s32 s1, s29;
	s0 =	sadd.s32 s0, s5;
	[dreg:$0x5] =	wrdreg s30  }
0x8: {  	vm12 =	vcmask $0x1F1C;
	vm13 =	vcmask $0x2724;
	vm14 =	vcmask $0x2F2C;
	s2 =	simm.s32 $0x200;
	s31 =	smax.u32 s1, $0x1;
	[dreg:$0x4] =	wrdreg s0  }
0x9: {  	vm15 =	vcmask $0x3734;
	v1 =	vmul.u32 $0x2, v1;
	v0 =	vunpack.c.0.s8.s32 v0;
	s3 =	simm.s32 $0x0;
	s1 =	simm.s32 $0x1;
	[dreg:$0x6] =	wrdreg s31  }
.LBB2_1:
0xa: {  	[dreg:$0x7] =	wrdreg s3  }
0xb: {  	s0 =	rddreg [dreg:$0x4]  }
0xc: {  	[tilespmem:s6], [sflag:$0x1] =	stream.linear.gather [hbm4b:s0+s6], $0x200, $0x38;
	[tilespmem:$0x1280] =	vst v63  }
0xd: {  	_ =	swait.ge [sflag:s1], $0x200  }
0xe: {  	[sflag:s1] =	ssyncset.done $0x0  }
0xf: {  	[sflag:s1] =	ssyncadd.s32 $0xFFFFFE00  }
0x10: {  	s31 =	rddreg [dreg:$0x1]  }
0x11: {  	[tilespmem:s2], [sflag:$0x1] =	stream.linear.gather [hbm4b:s31+s6], $0x80, $0x38;
	[tilespmem:$0x1280] =	vst v63  }
0x12: {  	_ =	swait.ge [sflag:s1], $0x80  }
0x13: {  	s13 =	simm.s32 $0x0;
	s3 =	simm.s32 $0x0;
	[sflag:s1] =	ssyncset.done $0x0  }
0x14: {  	s0 =	simm.s32 $0x0;
	[sflag:s1] =	ssyncadd.s32 $0xFFFFFF80;
	s1 =	simm.s32 $0xFFFFFFFE  }
.LBB2_2:
0x15: {  	v6 =	vld [tilespmem:s0+$0x0];
	_ =	sdelay $0x4  }
0x16: {  	v2 =	vmul.u32 $0xC7F0AAD, v6;
	_ =	sdelay $0x1  }
0x17: {  	v3 =	vadd.s32 $0x5BA252FB, v2  }
0x18: {  	(v2sf) =	vpush v3, $0xD;
	_ =	sdelay $0x1  }
0x19: {  	(v2sf) =	vpush v3, $0xC;
	_ =	sdelay $0x1  }
0x1a: {  	(v2sf) =	vpush v3, $0xE;
	_ =	sdelay $0x1  }
0x1b: {  	(v2sf) =	vpush v3, $0xF  }
0x1c: {  	(v2sf) =	vpush v3, $0x9  }
0x1d: {  	(v2sf) =	vpush v3, $0x8;
	_ =	sdelay $0x1  }
0x1e: {  	(v2sf) =	vpush v3, $0xA;
	_ =	sdelay $0x1  }
0x1f: {  	(v2sf) =	vpush v3, $0xB;
	_ =	sdelay $0x1  }
0x20: {  	(v2sf) =	vpush v3, $0x0  }
0x21: {  	s21 =	spop (v2sf)  }
0x22: {  	[dreg:$0x9] =	wrdreg s0;
	s14 =	smulhi.u32 $0x66666667, s21;
	s0 =	sshra.s32 s21, $0x1F  }
0x23: {  	s22 =	spop (v2sf);
	s25 =	smul.u32 $0x66666667, s0  }
0x24: {  	(v2sf) =	vpush v3, $0x1;
	s21 =	smulhi.u32 $0x66666667, s22;
	s0 =	sshra.s32 s22, $0x1F  }
0x25: {  	s23 =	spop (v2sf);
	s28 =	smul.u32 $0x66666667, s0  }
0x26: {  	[dreg:$0x8] =	wrdreg s1;
	(v2sf) =	vpush v3, $0x2;
	s24 =	smulhi.u32 $0x66666667, s23;
	s0 =	sshra.s32 s23, $0x1F  }
0x27: {  	s26 =	spop (v2sf);
	s0 =	smul.u32 $0x66666667, s0  }
0x28: {  	(v2sf) =	vpush v3, $0x3;
	s29 =	smulhi.u32 $0x66666667, s26;
	s30 =	spop (v2sf)  }
0x29: {  	s31 =	smulhi.u32 $0x66666667, s30;
	s1 =	spop (v2sf)  }
0x2a: {  	(v2sf) =	vpush v3, $0x4;
	[smem:$0x700] =	sst s0;
	s0 =	sshra.s32 s26, $0x1F;
	s20 =	smulhi.u32 $0x66666667, s1  }
0x2b: {  	s2 =	spop (v2sf);
	s19 =	smul.u32 $0x66666667, s0  }
0x2c: {  	[dreg:$0xb] =	wrdreg s3;
	(v2sf) =	vpush v3, $0x5;
	s0 =	sshra.s32 s30, $0x1F;
	s23 =	smulhi.u32 $0x66666667, s2  }
0x2d: {  	v2 =	vmul.u32 $0x17C4AA30, v6;
	s3 =	spop (v2sf);
	s22 =	smul.u32 $0x66666667, s0  }
0x2e: {  	[smem:$0x6FF] =	sst s24;
	(v2sf) =	vpush v3, $0x6;
	s0 =	sshra.s32 s1, $0x1F;
	s26 =	smulhi.u32 $0x66666667, s3  }
0x2f: {  	v2 =	vadd.s32 $0xB7D76C3, v2;
	(v2sf) =	vpush v3, $0x7;
	s4 =	spop (v2sf);
	s24 =	smul.u32 $0x66666667, s0  }
0x30: {  	(v2sf) =	vpush v2, $0xD;
	s0 =	sshra.s32 s2, $0x1F;
	s30 =	smulhi.u32 $0x66666667, s4  }
0x31: {  	[smem:$0x701] =	sst s29;
	s29 =	smul.u32 $0x66666667, s0;
	s0 =	sshra.s32 s3, $0x1F  }
0x32: {  	[smem:$0x702] =	sst s31;
	s31 =	smul.u32 $0x66666667, s0;
	s0 =	sshra.s32 s4, $0x1F  }
0x33: {  	s11 =	smul.u32 $0x66666667, s0;
	s5 =	spop (v2sf)  }
0x34: {  	(v2sf) =	vpush v2, $0xC;
	s6 =	smulhi.u32 $0x66666667, s5;
	s0 =	sshra.s32 s5, $0x1F  }
0x35: {  	s7 =	spop (v2sf);
	s2 =	smul.u32 $0x66666667, s0  }
0x36: {  	s8 =	smulhi.u32 $0x66666667, s7;
	s0 =	sshra.s32 s7, $0x1F  }
0x37: {  	(v2sf) =	vpush v2, $0xE;
	s9 =	spop (v2sf);
	s4 =	smul.u32 $0x66666667, s0  }
0x38: {  	s10 =	smulhi.u32 $0x66666667, s9;
	s0 =	sshra.s32 s9, $0x1F  }
0x39: {  	s12 =	spop (v2sf);
	s5 =	smul.u32 $0x66666667, s0  }
0x3a: {  	(v2sf) =	vpush v2, $0xF;
	[smem:$0x704] =	sst s8;
	s15 =	smulhi.u32 $0x66666667, s12;
	s0 =	sshra.s32 s12, $0x1F  }
0x3b: {  	s16 =	spop (v2sf);
	s8 =	smul.u32 $0x66666667, s0  }
0x3c: {  	[smem:$0x703] =	sst s6;
	(v2sf) =	vpush v2, $0x9;
	s17 =	smulhi.u32 $0x66666667, s16;
	s0 =	sshra.s32 s16, $0x1F  }
0x3d: {  	s18 =	spop (v2sf);
	s3 =	smul.u32 $0x66666667, s0  }
0x3e: {  	(v2sf) =	vpush v2, $0x8;
	s6 =	smulhi.u32 $0x66666667, s18;
	s0 =	sshra.s32 s18, $0x1F;
	s7 =	spop (v2sf)  }
0x3f: {  	s1 =	smul.u32 $0x66666667, s0;
	s9 =	spop (v2sf)  }
0x40: {  	s0 =	sshra.s32 s7, $0x1F;
	[smem:$0x708] =	sst s6;
	s6 =	smulhi.u32 $0x66666667, s7  }
0x41: {  	[smem:$0x705] =	sst s10;
	(v2sf) =	vpush v2, $0xA;
	s7 =	smul.u32 $0x66666667, s0;
	s0 =	sshra.s32 s9, $0x1F  }
0x42: {  	[smem:$0x706] =	sst s15;
	(v2sf) =	vpush v2, $0xB;
	s0 =	smul.u32 $0x66666667, s0  }
0x43: {  	[smem:$0x707] =	sst s17;
	s12 =	spop (v2sf)  }
0x44: {  	s10 =	smulhi.u32 $0x66666667, s9;
	[smem:$0x70B] =	sst s0;
	s0 =	sshra.s32 s12, $0x1F  }
0x45: {  	[smem:$0x709] =	sst s6;
	s0 =	smul.u32 $0x66666667, s0  }
0x46: {  	(v2sf) =	vpush v2, $0x0;
	s15 =	smulhi.u32 $0x66666667, s12;
	s16 =	spop (v2sf)  }
0x47: {  	s17 =	smulhi.u32 $0x66666667, s16;
	[smem:$0x70D] =	sst s0;
	s0 =	sshra.s32 s16, $0x1F  }
0x48: {  	[smem:$0x70A] =	sst s10;
	(v2sf) =	vpush v2, $0x1;
	s0 =	smul.u32 $0x66666667, s0  }
0x49: {  	(v2sf) =	vpush v2, $0x2;
	s18 =	spop (v2sf);
	[smem:$0x70C] =	sst s15  }
0x4a: {  	s9 =	smulhi.u32 $0x66666667, s18;
	[smem:$0x70F] =	sst s0;
	s0 =	sshra.s32 s18, $0x1F  }
0x4b: {  	(v2sf) =	vpush v2, $0x3;
	s10 =	spop (v2sf);
	s0 =	smul.u32 $0x66666667, s0  }
0x4c: {  	[smem:$0x70E] =	sst s17;
	s12 =	smulhi.u32 $0x66666667, s10  }
0x4d: {  	(v2sf) =	vpush v2, $0x4;
	s15 =	spop (v2sf);
	[smem:$0x711] =	sst s0;
	s0 =	sshra.s32 s10, $0x1F  }
0x4e: {  	[smem:$0x710] =	sst s9;
	s0 =	smul.u32 $0x66666667, s0  }
0x4f: {  	s16 =	smulhi.u32 $0x66666667, s15;
	[smem:$0x712] =	sst s12  }
0x50: {  	(v2sf) =	vpush v2, $0x5;
	s17 =	spop (v2sf);
	[smem:$0x713] =	sst s0;
	s0 =	sshra.s32 s15, $0x1F  }
0x51: {  	s9 =	spop (v2sf);
	s0 =	smul.u32 $0x66666667, s0  }
0x52: {  	[smem:$0x714] =	sst s16;
	s18 =	smulhi.u32 $0x66666667, s17  }
0x53: {  	(v2sf) =	vpush v2, $0x6;
	s10 =	smulhi.u32 $0x66666667, s9;
	[smem:$0x715] =	sst s0;
	s0 =	sshra.s32 s17, $0x1F  }
0x54: {  	[smem:$0x716] =	sst s18;
	s0 =	smul.u32 $0x66666667, s0  }
0x55: {  	s12 =	spop (v2sf);
	[smem:$0x718] =	sst s10  }
0x56: {  	v4 =	vmul.u32 $0x3716A676, v6;
	(v2sf) =	vpush v2, $0x7;
	s15 =	smulhi.u32 $0x66666667, s12;
	[smem:$0x717] =	sst s0;
	s0 =	sshra.s32 s9, $0x1F  }
0x57: {  	s16 =	spop (v2sf);
	s0 =	smul.u32 $0x66666667, s0  }
0x58: {  	v4 =	vadd.s32 $0x58E57D67, v4;
	[smem:$0x71A] =	sst s15;
	s18 =	spop (v2sf)  }
0x59: {  	(v2sf) =	vpush v4, $0xD;
	[smem:$0x719] =	sst s0;
	s0 =	sshra.s32 s12, $0x1F;
	s12 =	smulhi.u32 $0x66666667, s18  }
0x5a: {  	s17 =	smulhi.u32 $0x66666667, s16;
	s15 =	spop (v2sf)  }
0x5b: {  	[smem:$0x71C] =	sst s12;
	s12 =	smulhi.u32 $0x66666667, s15  }
0x5c: {  	(v2sf) =	vpush v4, $0xC;
	s9 =	smul.u32 $0x66666667, s0;
	s0 =	sshra.s32 s16, $0x1F;
	s16 =	spop (v2sf)  }
0x5d: {  	[smem:$0x71D] =	sst s12;
	s12 =	sshra.s32 s16, $0x1F  }
0x5e: {  	[smem:$0x71B] =	sst s17;
	s12 =	smul.u32 $0x66666667, s12  }
0x5f: {  	s10 =	smul.u32 $0x66666667, s0;
	s0 =	sshra.s32 s18, $0x1F;
	s17 =	spop (v2sf)  }
0x60: {  	(v2sf) =	vpush v4, $0xE;
	s6 =	smul.u32 $0x66666667, s0;
	[smem:$0x71F] =	sst s12;
	s12 =	sshra.s32 s17, $0x1F  }
0x61: {  	s12 =	smul.u32 $0x66666667, s12  }
0x62: {  	s0 =	sshra.s32 s15, $0x1F;
	s15 =	smulhi.u32 $0x66666667, s16;
	s18 =	spop (v2sf)  }
0x63: {  	[smem:$0x720] =	sst s12;
	s12 =	sshra.s32 s18, $0x1F  }
0x64: {  	(v2sf) =	vpush v4, $0xF;
	[smem:$0x71E] =	sst s15;
	s12 =	smul.u32 $0x66666667, s12  }
0x65: {  	s15 =	smulhi.u32 $0x66666667, s17;
	s17 =	spop (v2sf)  }
0x66: {  	s16 =	smulhi.u32 $0x66666667, s18;
	[smem:$0x722] =	sst s12;
	s12 =	sshra.s32 s17, $0x1F  }
0x67: {  	s12 =	smul.u32 $0x66666667, s12  }
0x68: {  	(v2sf) =	vpush v4, $0x9;
	[smem:$0x721] =	sst s16;
	s18 =	spop (v2sf)  }
0x69: {  	s16 =	smulhi.u32 $0x66666667, s17;
	[smem:$0x723] =	sst s12;
	s12 =	sshra.s32 s18, $0x1F  }
0x6a: {  	s12 =	smul.u32 $0x66666667, s12  }
0x6b: {  	s17 =	smulhi.u32 $0x66666667, s18;
	s18 =	spop (v2sf)  }
0x6c: {  	(v2sf) =	vpush v4, $0x8;
	[smem:$0x725] =	sst s12;
	s12 =	sshra.s32 s18, $0x1F  }
0x6d: {  	s12 =	smul.u32 $0x66666667, s12  }
0x6e: {  	[smem:$0x724] =	sst s17;
	s17 =	smulhi.u32 $0x66666667, s18  }
0x6f: {  	[smem:$0x726] =	sst s12;
	s12 =	spop (v2sf)  }
0x70: {  	(v2sf) =	vpush v4, $0xA;
	s18 =	smulhi.u32 $0x66666667, s12;
	s12 =	sshra.s32 s12, $0x1F  }
0x71: {  	s12 =	smul.u32 $0x66666667, s12;
	_ =	sdelay $0x1  }
0x72: {  	[smem:$0x728] =	sst s12;
	s12 =	spop (v2sf)  }
0x73: {  	(v2sf) =	vpush v4, $0xB;
	[smem:$0x727] =	sst s18;
	s18 =	smulhi.u32 $0x66666667, s12;
	s12 =	sshra.s32 s12, $0x1F  }
0x74: {  	s12 =	smul.u32 $0x66666667, s12;
	_ =	sdelay $0x1  }
0x75: {  	[smem:$0x72A] =	sst s12;
	s12 =	spop (v2sf)  }
0x76: {  	(v2sf) =	vpush v4, $0x0;
	[smem:$0x729] =	sst s18;
	s18 =	smulhi.u32 $0x66666667, s12;
	s12 =	sshra.s32 s12, $0x1F  }
0x77: {  	s12 =	smul.u32 $0x66666667, s12;
	_ =	sdelay $0x1  }
0x78: {  	[smem:$0x72C] =	sst s12;
	s12 =	spop (v2sf)  }
0x79: {  	(v2sf) =	vpush v4, $0x1;
	[smem:$0x72B] =	sst s18;
	s18 =	smulhi.u32 $0x66666667, s12;
	s12 =	sshra.s32 s12, $0x1F  }
0x7a: {  	s12 =	smul.u32 $0x66666667, s12;
	_ =	sdelay $0x1  }
0x7b: {  	[smem:$0x72E] =	sst s12;
	s12 =	spop (v2sf)  }
0x7c: {  	(v2sf) =	vpush v4, $0x2;
	[smem:$0x72D] =	sst s18;
	s18 =	smulhi.u32 $0x66666667, s12;
	s12 =	sshra.s32 s12, $0x1F  }
0x7d: {  	s12 =	smul.u32 $0x66666667, s12;
	_ =	sdelay $0x1  }
0x7e: {  	[smem:$0x730] =	sst s12;
	s12 =	spop (v2sf)  }
0x7f: {  	(v2sf) =	vpush v4, $0x3;
	[smem:$0x72F] =	sst s18;
	s18 =	smulhi.u32 $0x66666667, s12;
	s12 =	sshra.s32 s12, $0x1F  }
0x80: {  	s12 =	smul.u32 $0x66666667, s12;
	_ =	sdelay $0x1  }
0x81: {  	[smem:$0x732] =	sst s12;
	s12 =	spop (v2sf)  }
0x82: {  	(v2sf) =	vpush v4, $0x4;
	[smem:$0x731] =	sst s18;
	s18 =	smulhi.u32 $0x66666667, s12;
	s12 =	sshra.s32 s12, $0x1F  }
0x83: {  	s12 =	smul.u32 $0x66666667, s12;
	_ =	sdelay $0x1  }
0x84: {  	[smem:$0x734] =	sst s12;
	s12 =	spop (v2sf)  }
0x85: {  	(v2sf) =	vpush v4, $0x5;
	[smem:$0x733] =	sst s18;
	s18 =	smulhi.u32 $0x66666667, s12;
	s12 =	sshra.s32 s12, $0x1F  }
0x86: {  	s12 =	smul.u32 $0x66666667, s12;
	_ =	sdelay $0x1  }
0x87: {  	[smem:$0x736] =	sst s12;
	s12 =	spop (v2sf)  }
0x88: {  	(v2sf) =	vpush v4, $0x6;
	[smem:$0x735] =	sst s18;
	s18 =	smulhi.u32 $0x66666667, s12;
	s12 =	sshra.s32 s12, $0x1F  }
0x89: {  	s12 =	smul.u32 $0x66666667, s12;
	_ =	sdelay $0x1  }
0x8a: {  	[smem:$0x738] =	sst s12;
	s12 =	spop (v2sf)  }
0x8b: {  	(v2sf) =	vpush v4, $0x7;
	[smem:$0x737] =	sst s18;
	s18 =	smulhi.u32 $0x66666667, s12;
	s12 =	sshra.s32 s12, $0x1F  }
0x8c: {  	v5 =	vmul.u32 $0x5821CCC1, v6;
	s12 =	smul.u32 $0x66666667, s12;
	_ =	sdelay $0x1  }
0x8d: {  	v5 =	vadd.s32 $0x6C74A409, v5;
	[smem:$0x73A] =	sst s12;
	s12 =	spop (v2sf)  }
0x8e: {  	(v2sf) =	vpush v5, $0xD;
	[smem:$0x739] =	sst s18;
	s18 =	smulhi.u32 $0x66666667, s12;
	s12 =	sshra.s32 s12, $0x1F  }
0x8f: {  	s12 =	smul.u32 $0x66666667, s12;
	_ =	sdelay $0x1  }
0x90: {  	[smem:$0x73C] =	sst s12;
	s12 =	spop (v2sf)  }
0x91: {  	(v2sf) =	vpush v5, $0xC;
	[smem:$0x73B] =	sst s18;
	s18 =	smulhi.u32 $0x66666667, s12;
	s12 =	sshra.s32 s12, $0x1F  }
0x92: {  	s12 =	smul.u32 $0x66666667, s12;
	_ =	sdelay $0x1  }
0x93: {  	[smem:$0x73E] =	sst s12;
	s12 =	spop (v2sf)  }
0x94: {  	(v2sf) =	vpush v5, $0xE;
	[smem:$0x73D] =	sst s18;
	s18 =	smulhi.u32 $0x66666667, s12;
	s12 =	sshra.s32 s12, $0x1F  }
0x95: {  	s12 =	smul.u32 $0x66666667, s12;
	_ =	sdelay $0x1  }
0x96: {  	[smem:$0x740] =	sst s12;
	s12 =	spop (v2sf)  }
0x97: {  	(v2sf) =	vpush v5, $0xF;
	[smem:$0x73F] =	sst s18;
	s18 =	smulhi.u32 $0x66666667, s12;
	s12 =	sshra.s32 s12, $0x1F  }
0x98: {  	s12 =	smul.u32 $0x66666667, s12;
	_ =	sdelay $0x1  }
0x99: {  	[smem:$0x742] =	sst s12;
	s12 =	spop (v2sf)  }
0x9a: {  	(v2sf) =	vpush v5, $0x9;
	[smem:$0x741] =	sst s18;
	s18 =	smulhi.u32 $0x66666667, s12;
	s12 =	sshra.s32 s12, $0x1F  }
0x9b: {  	s12 =	smul.u32 $0x66666667, s12;
	_ =	sdelay $0x1  }
0x9c: {  	[smem:$0x744] =	sst s12;
	s12 =	spop (v2sf)  }
0x9d: {  	(v2sf) =	vpush v5, $0x8;
	[smem:$0x743] =	sst s18;
	s18 =	smulhi.u32 $0x66666667, s12;
	s12 =	sshra.s32 s12, $0x1F  }
0x9e: {  	s12 =	smul.u32 $0x66666667, s12;
	_ =	sdelay $0x1  }
0x9f: {  	[smem:$0x746] =	sst s12;
	s12 =	spop (v2sf)  }
0xa0: {  	(v2sf) =	vpush v5, $0xA;
	[smem:$0x745] =	sst s18;
	s18 =	smulhi.u32 $0x66666667, s12;
	s12 =	sshra.s32 s12, $0x1F  }
0xa1: {  	s12 =	smul.u32 $0x66666667, s12;
	_ =	sdelay $0x1  }
0xa2: {  	[smem:$0x748] =	sst s12;
	s12 =	spop (v2sf)  }
0xa3: {  	(v2sf) =	vpush v5, $0xB;
	[smem:$0x747] =	sst s18;
	s18 =	smulhi.u32 $0x66666667, s12;
	s12 =	sshra.s32 s12, $0x1F  }
0xa4: {  	s12 =	smul.u32 $0x66666667, s12;
	_ =	sdelay $0x1  }
0xa5: {  	[smem:$0x74A] =	sst s12;
	s12 =	spop (v2sf)  }
0xa6: {  	(v2sf) =	vpush v5, $0x0;
	[smem:$0x749] =	sst s18;
	s18 =	smulhi.u32 $0x66666667, s12;
	s12 =	sshra.s32 s12, $0x1F  }
0xa7: {  	s12 =	smul.u32 $0x66666667, s12;
	_ =	sdelay $0x1  }
0xa8: {  	[smem:$0x74C] =	sst s12;
	s12 =	spop (v2sf)  }
0xa9: {  	(v2sf) =	vpush v5, $0x1;
	[smem:$0x74B] =	sst s18;
	s18 =	smulhi.u32 $0x66666667, s12;
	s12 =	sshra.s32 s12, $0x1F  }
0xaa: {  	s12 =	smul.u32 $0x66666667, s12;
	_ =	sdelay $0x1  }
0xab: {  	[smem:$0x74E] =	sst s12;
	s12 =	spop (v2sf)  }
0xac: {  	(v2sf) =	vpush v5, $0x2;
	[smem:$0x74D] =	sst s18;
	s18 =	smulhi.u32 $0x66666667, s12;
	s12 =	sshra.s32 s12, $0x1F  }
0xad: {  	s12 =	smul.u32 $0x66666667, s12;
	_ =	sdelay $0x1  }
0xae: {  	[smem:$0x750] =	sst s12;
	s12 =	spop (v2sf)  }
0xaf: {  	(v2sf) =	vpush v5, $0x3;
	[smem:$0x74F] =	sst s18;
	s18 =	smulhi.u32 $0x66666667, s12;
	s12 =	sshra.s32 s12, $0x1F  }
0xb0: {  	s12 =	smul.u32 $0x66666667, s12;
	_ =	sdelay $0x1  }
0xb1: {  	[smem:$0x752] =	sst s12;
	s12 =	spop (v2sf)  }
0xb2: {  	(v2sf) =	vpush v5, $0x4;
	[smem:$0x751] =	sst s18;
	s18 =	smulhi.u32 $0x66666667, s12;
	s12 =	sshra.s32 s12, $0x1F  }
0xb3: {  	s12 =	smul.u32 $0x66666667, s12;
	_ =	sdelay $0x1  }
0xb4: {  	[smem:$0x754] =	sst s12;
	s12 =	spop (v2sf)  }
0xb5: {  	(v2sf) =	vpush v5, $0x5;
	[smem:$0x753] =	sst s18;
	s18 =	smulhi.u32 $0x66666667, s12;
	s12 =	sshra.s32 s12, $0x1F  }
0xb6: {  	s12 =	smul.u32 $0x66666667, s12;
	_ =	sdelay $0x1  }
0xb7: {  	[smem:$0x756] =	sst s12;
	s12 =	spop (v2sf)  }
0xb8: {  	(v2sf) =	vpush v5, $0x6;
	[smem:$0x755] =	sst s18;
	s18 =	smulhi.u32 $0x66666667, s12;
	s12 =	sshra.s32 s12, $0x1F  }
0xb9: {  	s12 =	smul.u32 $0x66666667, s12;
	_ =	sdelay $0x1  }
0xba: {  	[smem:$0x758] =	sst s12;
	s12 =	spop (v2sf)  }
0xbb: {  	(v2sf) =	vpush v5, $0x7;
	[smem:$0x757] =	sst s18;
	s18 =	smulhi.u32 $0x66666667, s12;
	s12 =	sshra.s32 s12, $0x1F  }
0xbc: {  	v6 =	vmul.u32 $0x1A4EB344, v6;
	s12 =	smul.u32 $0x66666667, s12;
	_ =	sdelay $0x1  }
0xbd: {  	v6 =	vadd.s32 $0x1FA1DED3, v6;
	[smem:$0x75A] =	sst s12;
	s12 =	spop (v2sf)  }
0xbe: {  	(v2sf) =	vpush v6, $0xD;
	[smem:$0x759] =	sst s18;
	s18 =	smulhi.u32 $0x66666667, s12;
	s12 =	sshra.s32 s12, $0x1F  }
0xbf: {  	s12 =	smul.u32 $0x66666667, s12;
	_ =	sdelay $0x1  }
0xc0: {  	[smem:$0x75C] =	sst s12;
	s12 =	spop (v2sf)  }
0xc1: {  	(v2sf) =	vpush v6, $0xC;
	[smem:$0x75B] =	sst s18;
	s18 =	smulhi.u32 $0x66666667, s12;
	s12 =	sshra.s32 s12, $0x1F  }
0xc2: {  	s12 =	smul.u32 $0x66666667, s12;
	_ =	sdelay $0x1  }
0xc3: {  	[smem:$0x75E] =	sst s12;
	s12 =	spop (v2sf)  }
0xc4: {  	(v2sf) =	vpush v6, $0xE;
	[smem:$0x75D] =	sst s18;
	s18 =	smulhi.u32 $0x66666667, s12;
	s12 =	sshra.s32 s12, $0x1F  }
0xc5: {  	s12 =	smul.u32 $0x66666667, s12;
	_ =	sdelay $0x1  }
0xc6: {  	(v2sf) =	vpush v6, $0xF;
	[smem:$0x760] =	sst s12;
	s12 =	spop (v2sf)  }
0xc7: {  	[smem:$0x75F] =	sst s18;
	s18 =	smulhi.u32 $0x66666667, s12;
	s12 =	sshra.s32 s12, $0x1F  }
0xc8: {  	s12 =	smul.u32 $0x66666667, s12;
	_ =	sdelay $0x1  }
0xc9: {  	[smem:$0x762] =	sst s12;
	s12 =	spop (v2sf)  }
0xca: {  	[smem:$0x761] =	sst s18;
	s18 =	smulhi.u32 $0x66666667, s12;
	s12 =	sshra.s32 s12, $0x1F  }
0xcb: {  	s12 =	smul.u32 $0x66666667, s12  }
0xcc: {  	[dreg:$0xa] =	wrdreg s13  }
0xcd: {  	s14 =	sadd.s32 s25, s14;
	(v2sf) =	vpush v6, $0x9;
	[smem:$0x764] =	sst s12;
	s12 =	spop (v2sf)  }
0xce: {  	[smem:$0x763] =	sst s18;
	s18 =	smulhi.u32 $0x66666667, s12;
	s12 =	sshra.s32 s12, $0x1F  }
0xcf: {  	[smem:$0x79B] =	sst s14;
	s28 =	sadd.s32 s28, s21;
	s12 =	smul.u32 $0x66666667, s12  }
0xd0: {  	[smem:$0x79D] =	sst s28  }
0xd1: {  	s14 =	sand.u32 $0x60, s13;
	[smem:$0x766] =	sst s12;
	s12 =	spop (v2sf)  }
0xd2: {  	[smem:$0x765] =	sst s18;
	s18 =	smulhi.u32 $0x66666667, s12;
	s12 =	sshra.s32 s12, $0x1F  }
0xd3: {  	[dreg:$0xd] =	wrdreg s14;
	(v2sf) =	vpush v6, $0x8;
	s25 =	smul.u32 $0x66666667, s12  }
0xd4: {  	[smem:$0x767] =	sst s18;
	s18 =	spop (v2sf)  }
0xd5: {  	s28 =	rddreg [dreg:$0xa];
	(v2sf) =	vpush v6, $0xA;
	s21 =	smulhi.u32 $0x66666667, s18  }
0xd6: {  	s12 =	sshra.s32 s18, $0x1F;
	s18 =	sor.u32 $0x10, s14;
	s14 =	sld [smem:$0x6FF]  }
0xd7: {  	s13 =	sand.u32 $0x180, s28;
	[dreg:$0xc] =	wrdreg s18  }
0xd8: {  	(v2sf) =	vpush v6, $0xB;
	s28 =	smul.u32 $0x66666667, s12;
	s12 =	sor.u32 s18, s13;
	s18 =	sld [smem:$0x700]  }
0xd9: {  	_ = 	snop  }
0xda: {  	(v2sf) =	vpush v6, $0x0  }
0xdb: {  	s14 =	sadd.s32 s18, s14;
	s18 =	sld [smem:$0x701]  }
0xdc: {  	s13 =	spop (v2sf)  }
0xdd: {  	(v2sf) =	vpush v6, $0x1;
	v11 =	vld [tilespmem:s12+$0x0];
	s12 =	sshra.s32 s13, $0x1F;
	[smem:$0x79F] =	sst s14  }
0xde: {  	s14 =	smulhi.u32 $0x66666667, s13;
	s13 =	sadd.s32 s19, s18;
	s18 =	sld [smem:$0x702]  }
0xdf: {  	s11 =	sadd.s32 s11, s30  }
0xe0: {  	[smem:$0x79E] =	sst s11  }
0xe1: {  	s19 =	smul.u32 $0x66666667, s12;
	[smem:$0x7A1] =	sst s13;
	s13 =	sadd.s32 s22, s18  }
0xe2: {  	(v2sf) =	vpush v6, $0x2;
	s12 =	spop (v2sf);
	s22 =	sadd.s32 s24, s20;
	[smem:$0x7A4] =	sst s13  }
0xe3: {  	s18 =	smulhi.u32 $0x66666667, s12;
	s12 =	sshra.s32 s12, $0x1F;
	[smem:$0x7A2] =	sst s22  }
0xe4: {  	s24 =	spop (v2sf);
	s22 =	sadd.s32 s29, s23;
	s29 =	sld [smem:$0x703]  }
0xe5: {  	s20 =	smul.u32 $0x66666667, s12;
	s23 =	sadd.s32 s31, s26;
	s31 =	sld [smem:$0x704]  }
0xe6: {  	(v2sf) =	vpush v6, $0x3;
	s12 =	sshra.s32 s24, $0x1F;
	[smem:$0x7A6] =	sst s22;
	s22 =	smulhi.u32 $0x66666667, s24  }
0xe7: {  	s13 =	smul.u32 $0x66666667, s12;
	s24 =	spop (v2sf)  }
0xe8: {  	[smem:$0x7A8] =	sst s23;
	s23 =	smulhi.u32 $0x66666667, s24  }
0xe9: {  	s26 =	sshra.s32 s24, $0x1F;
	s30 =	spop (v2sf);
	s24 =	sld [smem:$0x705]  }
0xea: {  	s2 =	sadd.s32 s2, s29;
	s12 =	smul.u32 $0x66666667, s26;
	s29 =	sld [smem:$0x706]  }
0xeb: {  	s4 =	sadd.s32 s4, s31;
	s11 =	smulhi.u32 $0x66666667, s30;
	[smem:$0x7A0] =	sst s2  }
0xec: {  	s26 =	spop (v2sf);
	[smem:$0x7A3] =	sst s4;
	s2 =	sshra.s32 s30, $0x1F  }
0xed: {  	(v2sf) =	vpush v6, $0x4;
	s30 =	sld [smem:$0x707];
	s4 =	sadd.s32 s5, s24;
	s24 =	smul.u32 $0x66666667, s2  }
0xee: {  	s5 =	smulhi.u32 $0x66666667, s26;
	s2 =	sshra.s32 s26, $0x1F;
	s26 =	sld [smem:$0x708]  }
0xef: {  	[smem:$0x7A5] =	sst s4;
	s4 =	sadd.s32 s8, s29  }
0xf0: {  	[smem:$0x7A7] =	sst s4  }
0xf1: {  	s31 =	spop (v2sf);
	s3 =	sadd.s32 s3, s30;
	s30 =	sld [smem:$0x709]  }
0xf2: {  	s8 =	smul.u32 $0x66666667, s2;
	s29 =	sshra.s32 s31, $0x1F;
	[smem:$0x7A9] =	sst s3  }
0xf3: {  	s1 =	sadd.s32 s1, s26;
	s26 =	smul.u32 $0x66666667, s29;
	s29 =	sld [smem:$0x70B]  }
0xf4: {  	s4 =	smulhi.u32 $0x66666667, s31;
	s3 =	sld [smem:$0x710]  }
0xf5: {  	s31 =	spop (v2sf);
	[smem:$0x7AA] =	sst s1  }
0xf6: {  	s1 =	sshra.s32 s31, $0x1F;
	s2 =	sadd.s32 s7, s30;
	s7 =	sld [smem:$0x70A]  }
0xf7: {  	(v2sf) =	vpush v6, $0x5;
	s30 =	sld [smem:$0x70C];
	s1 =	smul.u32 $0x66666667, s1  }
0xf8: {  	[smem:$0x79C] =	sst s2  }
0xf9: {  	[smem:$0x768] =	sst s1  }
0xfa: {  	s2 =	sadd.s32 s29, s7;
	s7 =	smulhi.u32 $0x66666667, s31;
	s31 =	sld [smem:$0x70D]  }
0xfb: {  	(v2sf) =	vpush v6, $0x6;
	s29 =	sld [smem:$0x70E]  }
0xfc: {  	s1 =	spop (v2sf);
	[smem:$0x7AC] =	sst s2  }
0xfd: {  	s2 =	sadd.s32 s31, s30;
	s30 =	sld [smem:$0x70F];
	s31 =	smulhi.u32 $0x66666667, s1  }
0xfe: {  	[smem:$0x7AE] =	sst s2  }
0xff: {  	s1 =	sshra.s32 s1, $0x1F;
	[smem:$0x769] =	sst s31  }
0x100: {  	s1 =	smul.u32 $0x66666667, s1;
	s31 =	sld [smem:$0x713]  }
0x101: {  	s2 =	sadd.s32 s30, s29;
	s29 =	sld [smem:$0x711]  }
0x102: {  	[smem:$0x76A] =	sst s1  }
0x103: {  	s30 =	sld [smem:$0x712]  }
0x104: {  	v7 =	vmul.u32 $0xC7F0AAD, v11;
	[smem:$0x7AF] =	sst s2;
	s2 =	sadd.s32 s29, s3  }
0x105: {  	(v2sf) =	vpush v6, $0x7;
	[smem:$0x7B1] =	sst s2  }
0x106: {  	v7 =	vadd.s32 $0x5BA252FB, v7;
	s1 =	spop (v2sf);
	s2 =	sadd.s32 s31, s30;
	s30 =	sld [smem:$0x714]  }
0x107: {  	(v2sf) =	vpush v7, $0xD;
	s29 =	smulhi.u32 $0x66666667, s1;
	s1 =	sshra.s32 s1, $0x1F;
	s31 =	sld [smem:$0x715]  }
0x108: {  	s1 =	smul.u32 $0x66666667, s1;
	[smem:$0x7B4] =	sst s2  }
0x109: {  	[smem:$0x76B] =	sst s29  }
0x10a: {  	s29 =	spop (v2sf);
	[smem:$0x76C] =	sst s1  }
0x10b: {  	s3 =	smulhi.u32 $0x66666667, s29;
	s1 =	sshra.s32 s29, $0x1F;
	s29 =	sld [smem:$0x718]  }
0x10c: {  	s2 =	sadd.s32 s31, s30;
	s30 =	sld [smem:$0x716]  }
0x10d: {  	s31 =	sld [smem:$0x717]  }
0x10e: {  	[smem:$0x7B3] =	sst s2  }
0x10f: {  	s1 =	smul.u32 $0x66666667, s1;
	[smem:$0x76D] =	sst s3  }
0x110: {  	s2 =	sadd.s32 s31, s30;
	s30 =	sld [smem:$0x719]  }
0x111: {  	(v2sf) =	vpush v7, $0xC;
	[smem:$0x76E] =	sst s1  }
0x112: {  	[smem:$0x7B6] =	sst s2  }
0x113: {  	s2 =	sadd.s32 s30, s29;
	s29 =	sld [smem:$0x71A]  }
0x114: {  	s31 =	spop (v2sf);
	s30 =	sld [smem:$0x71B]  }
0x115: {  	s3 =	smulhi.u32 $0x66666667, s31;
	s1 =	sshra.s32 s31, $0x1F;
	[smem:$0x7B8] =	sst s2  }
0x116: {  	(v2sf) =	vpush v7, $0xE;
	s31 =	spop (v2sf);
	s2 =	sadd.s32 s9, s29;
	s29 =	sld [smem:$0x71D]  }
0x117: {  	s9 =	smul.u32 $0x66666667, s1;
	s1 =	sshra.s32 s31, $0x1F;
	[smem:$0x7AD] =	sst s2  }
0x118: {  	s2 =	sadd.s32 s10, s30;
	s10 =	sld [smem:$0x71C];
	s30 =	smul.u32 $0x66666667, s1  }
0x119: {  	s0 =	smul.u32 $0x66666667, s0;
	[smem:$0x7B0] =	sst s2  }
0x11a: {  	[smem:$0x76F] =	sst s30  }
0x11b: {  	s0 =	sadd.s32 s0, s29;
	s29 =	sld [smem:$0x720]  }
0x11c: {  	s30 =	sld [smem:$0x721]  }
0x11d: {  	(v2sf) =	vpush v7, $0xF;
	s2 =	sadd.s32 s6, s10;
	s10 =	sld [smem:$0x71F]  }
0x11e: {  	[smem:$0x7B2] =	sst s2  }
0x11f: {  	s2 =	sld [smem:$0x71E]  }
0x120: {  	s6 =	smulhi.u32 $0x66666667, s31;
	s31 =	spop (v2sf)  }
0x121: {  	[smem:$0x7B5] =	sst s0;
	s0 =	sshra.s32 s31, $0x1F  }
0x122: {  	s1 =	sadd.s32 s10, s2;
	s10 =	smulhi.u32 $0x66666667, s31;
	s31 =	sld [smem:$0x722]  }
0x123: {  	(v2sf) =	vpush v7, $0x9;
	s2 =	sld [smem:$0x724]  }
0x124: {  	[smem:$0x7B7] =	sst s1;
	s1 =	sadd.s32 s29, s15;
	s15 =	smul.u32 $0x66666667, s0  }
0x125: {  	s0 =	spop (v2sf);
	[smem:$0x7B9] =	sst s1  }
0x126: {  	s29 =	smulhi.u32 $0x66666667, s0;
	s1 =	sadd.s32 s31, s30;
	s30 =	sld [smem:$0x723]  }
0x127: {  	s0 =	sshra.s32 s0, $0x1F;
	[smem:$0x7BA] =	sst s1  }
0x128: {  	(v2sf) =	vpush v7, $0x8;
	s0 =	smul.u32 $0x66666667, s0;
	[smem:$0x770] =	sst s29  }
0x129: {  	s29 =	sld [smem:$0x726]  }
0x12a: {  	[smem:$0x771] =	sst s0  }
0x12b: {  	s1 =	sadd.s32 s30, s16;
	s16 =	sld [smem:$0x725]  }
0x12c: {  	s31 =	spop (v2sf);
	s30 =	sld [smem:$0x727]  }
0x12d: {  	s0 =	sshra.s32 s31, $0x1F;
	[smem:$0x7AB] =	sst s1  }
0x12e: {  	s1 =	sadd.s32 s16, s2;
	s16 =	smulhi.u32 $0x66666667, s31;
	s31 =	sld [smem:$0x728]  }
0x12f: {  	s2 =	sld [smem:$0x72D]  }
0x130: {  	[smem:$0x7BB] =	sst s1;
	s1 =	sadd.s32 s29, s17  }
0x131: {  	s17 =	smul.u32 $0x66666667, s0;
	[smem:$0x7BD] =	sst s1  }
0x132: {  	(v2sf) =	vpush v7, $0xA;
	s0 =	spop (v2sf);
	s1 =	sadd.s32 s31, s30;
	s30 =	sld [smem:$0x729]  }
0x133: {  	s29 =	smulhi.u32 $0x66666667, s0;
	s31 =	sld [smem:$0x72A]  }
0x134: {  	s0 =	sshra.s32 s0, $0x1F;
	[smem:$0x7BF] =	sst s1  }
0x135: {  	s0 =	smul.u32 $0x66666667, s0;
	[smem:$0x772] =	sst s29  }
0x136: {  	(v2sf) =	vpush v7, $0xB;
	s29 =	sld [smem:$0x72B]  }
0x137: {  	[smem:$0x773] =	sst s0;
	s0 =	spop (v2sf)  }
0x138: {  	s1 =	sadd.s32 s31, s30;
	s30 =	sld [smem:$0x72C];
	s31 =	smulhi.u32 $0x66666667, s0  }
0x139: {  	[smem:$0x7C0] =	sst s1  }
0x13a: {  	s0 =	sshra.s32 s0, $0x1F;
	[smem:$0x774] =	sst s31  }
0x13b: {  	s0 =	smul.u32 $0x66666667, s0;
	s31 =	sld [smem:$0x730]  }
0x13c: {  	s1 =	sadd.s32 s30, s29;
	s29 =	sld [smem:$0x72E]  }
0x13d: {  	[smem:$0x775] =	sst s0  }
0x13e: {  	s30 =	sld [smem:$0x72F]  }
0x13f: {  	[smem:$0x7C3] =	sst s1;
	s1 =	sadd.s32 s29, s2  }
0x140: {  	(v2sf) =	vpush v7, $0x0;
	[smem:$0x7C4] =	sst s1  }
0x141: {  	(v2sf) =	vpush v7, $0x1;
	s0 =	spop (v2sf);
	s1 =	sadd.s32 s31, s30;
	s30 =	sld [smem:$0x731]  }
0x142: {  	(v2sf) =	vpush v7, $0x2;
	s29 =	smulhi.u32 $0x66666667, s0;
	s0 =	sshra.s32 s0, $0x1F;
	s31 =	sld [smem:$0x732]  }
0x143: {  	(v2sf) =	vpush v7, $0x3;
	s0 =	smul.u32 $0x66666667, s0;
	[smem:$0x7C7] =	sst s1  }
0x144: {  	(v2sf) =	vpush v7, $0x4;
	[smem:$0x776] =	sst s29  }
0x145: {  	(v2sf) =	vpush v7, $0x5;
	s29 =	spop (v2sf);
	[smem:$0x777] =	sst s0;
	s1 =	sadd.s32 s31, s30  }
0x146: {  	(v2sf) =	vpush v7, $0x6;
	s0 =	sshra.s32 s29, $0x1F;
	s31 =	smulhi.u32 $0x66666667, s29;
	[smem:$0x7C9] =	sst s1  }
0x147: {  	s0 =	smul.u32 $0x66666667, s0;
	s1 =	sld [smem:$0x733]  }
0x148: {  	[smem:$0x778] =	sst s31  }
0x149: {  	s9 =	sadd.s32 s9, s3;
	[smem:$0x779] =	sst s0  }
0x14a: {  	[smem:$0x7DD] =	sst s9  }
0x14b: {  	s30 =	sld [smem:$0x734]  }
0x14c: {  	s2 =	sld [smem:$0x735]  }
0x14d: {  	s29 =	sld [smem:$0x736]  }
0x14e: {  	s31 =	sld [smem:$0x738]  }
0x14f: {  	s3 =	sld [smem:$0x775]  }
0x150: {  	s1 =	sadd.s32 s30, s1;
	s30 =	sld [smem:$0x737]  }
0x151: {  	s0 =	spop (v2sf);
	[smem:$0x7BE] =	sst s1  }
0x152: {  	s1 =	sadd.s32 s29, s2;
	s29 =	smulhi.u32 $0x66666667, s0;
	s2 =	sld [smem:$0x73D]  }
0x153: {  	[smem:$0x7C1] =	sst s1  }
0x154: {  	[smem:$0x77A] =	sst s29  }
0x155: {  	s1 =	sadd.s32 s31, s30;
	s30 =	sld [smem:$0x739]  }
0x156: {  	s0 =	sshra.s32 s0, $0x1F;
	s31 =	sld [smem:$0x73A]  }
0x157: {  	s0 =	smul.u32 $0x66666667, s0;
	s29 =	sld [smem:$0x73B]  }
0x158: {  	[smem:$0x7C2] =	sst s1  }
0x159: {  	[smem:$0x77B] =	sst s0;
	s0 =	spop (v2sf)  }
0x15a: {  	s1 =	sadd.s32 s31, s30;
	s30 =	sld [smem:$0x73C];
	s31 =	smulhi.u32 $0x66666667, s0  }
0x15b: {  	[smem:$0x7C5] =	sst s1  }
0x15c: {  	s0 =	sshra.s32 s0, $0x1F;
	[smem:$0x77C] =	sst s31  }
0x15d: {  	s0 =	smul.u32 $0x66666667, s0;
	s31 =	sld [smem:$0x740]  }
0x15e: {  	s1 =	sadd.s32 s30, s29;
	s29 =	sld [smem:$0x73E]  }
0x15f: {  	[smem:$0x77D] =	sst s0  }
0x160: {  	s30 =	sld [smem:$0x73F]  }
0x161: {  	[smem:$0x7C6] =	sst s1  }
0x162: {  	s1 =	sadd.s32 s29, s2;
	s2 =	sld [smem:$0x745]  }
0x163: {  	[smem:$0x7C8] =	sst s1  }
0x164: {  	s0 =	spop (v2sf);
	s1 =	sadd.s32 s31, s30;
	s30 =	sld [smem:$0x741]  }
0x165: {  	s29 =	smulhi.u32 $0x66666667, s0;
	s31 =	sld [smem:$0x742]  }
0x166: {  	s0 =	sshra.s32 s0, $0x1F;
	[smem:$0x7CA] =	sst s1  }
0x167: {  	s0 =	smul.u32 $0x66666667, s0;
	[smem:$0x77E] =	sst s29  }
0x168: {  	s29 =	sld [smem:$0x743]  }
0x169: {  	[smem:$0x77F] =	sst s0;
	s0 =	spop (v2sf)  }
0x16a: {  	s1 =	sadd.s32 s31, s30;
	s30 =	sld [smem:$0x744];
	s31 =	smulhi.u32 $0x66666667, s0  }
0x16b: {  	[smem:$0x7BC] =	sst s1  }
0x16c: {  	s0 =	sshra.s32 s0, $0x1F;
	[smem:$0x780] =	sst s31  }
0x16d: {  	s0 =	smul.u32 $0x66666667, s0;
	s31 =	sld [smem:$0x748]  }
0x16e: {  	s1 =	sadd.s32 s30, s29;
	s29 =	sld [smem:$0x746]  }
0x16f: {  	[smem:$0x781] =	sst s0  }
0x170: {  	s30 =	sld [smem:$0x747]  }
0x171: {  	[smem:$0x7CB] =	sst s1  }
0x172: {  	s1 =	sadd.s32 s29, s2;
	s2 =	sld [smem:$0x74D]  }
0x173: {  	[smem:$0x7CC] =	sst s1  }
0x174: {  	s0 =	spop (v2sf);
	s1 =	sadd.s32 s31, s30;
	s30 =	sld [smem:$0x749]  }
0x175: {  	s29 =	smulhi.u32 $0x66666667, s0;
	s31 =	sld [smem:$0x74A]  }
0x176: {  	s0 =	sshra.s32 s0, $0x1F;
	[smem:$0x7CE] =	sst s1  }
0x177: {  	s0 =	smul.u32 $0x66666667, s0;
	[smem:$0x782] =	sst s29  }
0x178: {  	s29 =	sld [smem:$0x74B]  }
0x179: {  	[smem:$0x783] =	sst s0;
	s0 =	spop (v2sf)  }
0x17a: {  	(v2sf) =	vpush v7, $0x7;
	s1 =	sadd.s32 s31, s30;
	s30 =	sld [smem:$0x74C];
	s31 =	smulhi.u32 $0x66666667, s0  }
0x17b: {  	[smem:$0x7D0] =	sst s1  }
0x17c: {  	s0 =	sshra.s32 s0, $0x1F;
	[smem:$0x784] =	sst s31  }
0x17d: {  	s0 =	smul.u32 $0x66666667, s0;
	s31 =	sld [smem:$0x750]  }
0x17e: {  	s1 =	sadd.s32 s30, s29;
	s29 =	sld [smem:$0x74E]  }
0x17f: {  	[smem:$0x785] =	sst s0  }
0x180: {  	s30 =	sld [smem:$0x74F]  }
0x181: {  	[smem:$0x7D1] =	sst s1  }
0x182: {  	v8 =	vmul.u32 $0x17C4AA30, v11;
	s1 =	sadd.s32 s29, s2;
	s2 =	sld [smem:$0x755]  }
0x183: {  	[smem:$0x7D3] =	sst s1  }
0x184: {  	v8 =	vadd.s32 $0xB7D76C3, v8;
	s0 =	spop (v2sf);
	s1 =	sadd.s32 s31, s30;
	s30 =	sld [smem:$0x751]  }
0x185: {  	(v2sf) =	vpush v8, $0xD;
	s29 =	smulhi.u32 $0x66666667, s0;
	s31 =	sld [smem:$0x752]  }
0x186: {  	s0 =	sshra.s32 s0, $0x1F;
	[smem:$0x7D6] =	sst s1  }
0x187: {  	s0 =	smul.u32 $0x66666667, s0;
	[smem:$0x786] =	sst s29  }
0x188: {  	s29 =	sld [smem:$0x753]  }
0x189: {  	[smem:$0x787] =	sst s0;
	s0 =	spop (v2sf)  }
0x18a: {  	(v2sf) =	vpush v8, $0xC;
	s1 =	sadd.s32 s31, s30;
	s30 =	sld [smem:$0x754];
	s31 =	smulhi.u32 $0x66666667, s0  }
0x18b: {  	[smem:$0x7D8] =	sst s1  }
0x18c: {  	s0 =	sshra.s32 s0, $0x1F;
	[smem:$0x788] =	sst s31  }
0x18d: {  	s0 =	smul.u32 $0x66666667, s0;
	s31 =	sld [smem:$0x758]  }
0x18e: {  	s1 =	sadd.s32 s30, s29;
	s29 =	sld [smem:$0x756]  }
0x18f: {  	[smem:$0x789] =	sst s0  }
0x190: {  	s30 =	sld [smem:$0x757]  }
0x191: {  	[smem:$0x7CF] =	sst s1  }
0x192: {  	s1 =	sadd.s32 s29, s2;
	s2 =	sld [smem:$0x75D]  }
0x193: {  	[smem:$0x7D2] =	sst s1  }
0x194: {  	s0 =	spop (v2sf);
	s1 =	sadd.s32 s31, s30;
	s30 =	sld [smem:$0x759]  }
0x195: {  	(v2sf) =	vpush v8, $0xE;
	s29 =	smulhi.u32 $0x66666667, s0;
	s31 =	sld [smem:$0x75A]  }
0x196: {  	s0 =	sshra.s32 s0, $0x1F;
	[smem:$0x7D4] =	sst s1  }
0x197: {  	s0 =	smul.u32 $0x66666667, s0;
	[smem:$0x78A] =	sst s29  }
0x198: {  	s29 =	sld [smem:$0x75B]  }
0x199: {  	[smem:$0x78B] =	sst s0;
	s0 =	spop (v2sf)  }
0x19a: {  	(v2sf) =	vpush v8, $0xF;
	s1 =	sadd.s32 s31, s30;
	s30 =	sld [smem:$0x75C];
	s31 =	smulhi.u32 $0x66666667, s0  }
0x19b: {  	[smem:$0x7D5] =	sst s1  }
0x19c: {  	s0 =	sshra.s32 s0, $0x1F;
	[smem:$0x78C] =	sst s31  }
0x19d: {  	s0 =	smul.u32 $0x66666667, s0;
	s31 =	sld [smem:$0x760]  }
0x19e: {  	s1 =	sadd.s32 s30, s29;
	s29 =	sld [smem:$0x75E]  }
0x19f: {  	[smem:$0x78D] =	sst s0  }
0x1a0: {  	(v2sf) =	vpush v8, $0x9;
	s30 =	sld [smem:$0x75F]  }
0x1a1: {  	[smem:$0x7D7] =	sst s1  }
0x1a2: {  	s1 =	sadd.s32 s29, s2;
	s2 =	sld [smem:$0x765]  }
0x1a3: {  	[smem:$0x7D9] =	sst s1  }
0x1a4: {  	s0 =	spop (v2sf);
	s1 =	sadd.s32 s31, s30;
	s30 =	sld [smem:$0x761]  }
0x1a5: {  	s29 =	smulhi.u32 $0x66666667, s0;
	s31 =	sld [smem:$0x762]  }
0x1a6: {  	s0 =	sshra.s32 s0, $0x1F;
	[smem:$0x7DA] =	sst s1  }
0x1a7: {  	s0 =	smul.u32 $0x66666667, s0;
	[smem:$0x78E] =	sst s29  }
0x1a8: {  	s29 =	sld [smem:$0x763]  }
0x1a9: {  	[smem:$0x78F] =	sst s0;
	s0 =	spop (v2sf)  }
0x1aa: {  	s1 =	sadd.s32 s31, s30;
	s30 =	sld [smem:$0x764];
	s31 =	smulhi.u32 $0x66666667, s0  }
0x1ab: {  	[smem:$0x7CD] =	sst s1  }
0x1ac: {  	s0 =	sshra.s32 s0, $0x1F;
	[smem:$0x790] =	sst s31  }
0x1ad: {  	s0 =	smul.u32 $0x66666667, s0;
	s1 =	sadd.s32 s30, s29;
	s29 =	sld [smem:$0x766]  }
0x1ae: {  	s31 =	sld [smem:$0x767]  }
0x1af: {  	[smem:$0x791] =	sst s0;
	s30 =	spop (v2sf)  }
0x1b0: {  	[smem:$0x7DB] =	sst s1;
	s1 =	sadd.s32 s29, s2;
	s29 =	sadd.s32 s19, s14  }
0x1b1: {  	s19 =	sadd.s32 s12, s23;
	s23 =	sadd.s32 s8, s5;
	s8 =	sld [smem:$0x76E]  }
0x1b2: {  	(v2sf) =	vpush v8, $0x8;
	s0 =	sshra.s32 s30, $0x1F;
	s12 =	sld [smem:$0x76F]  }
0x1b3: {  	s14 =	sadd.s32 s13, s22;
	s13 =	sadd.s32 s15, s10;
	s15 =	sld [smem:$0x770]  }
0x1b4: {  	s0 =	smul.u32 $0x66666667, s0;
	s10 =	sld [smem:$0x77A]  }
0x1b5: {  	[smem:$0x7DC] =	sst s1  }
0x1b6: {  	[smem:$0x793] =	sst s0  }
0x1b7: {  	(v2sf) =	vpush v8, $0xA;
	[smem:$0x7E2] =	sst s29  }
0x1b8: {  	[smem:$0x7E7] =	sst s14  }
0x1b9: {  	[smem:$0x7EA] =	sst s19  }
0x1ba: {  	[smem:$0x7E1] =	sst s23  }
0x1bb: {  	[smem:$0x7EC] =	sst s13  }
0x1bc: {  	(v2sf) =	vpush v8, $0xB;
	s2 =	smulhi.u32 $0x66666667, s30;
	s1 =	sadd.s32 s25, s31;
	s13 =	sld [smem:$0x77D]  }
0x1bd: {  	[smem:$0x7DE] =	sst s1  }
0x1be: {  	(v2sf) =	vpush v8, $0x0;
	s25 =	sadd.s32 s28, s21;
	[smem:$0x792] =	sst s2  }
0x1bf: {  	s31 =	sadd.s32 s20, s18;
	[smem:$0x7E0] =	sst s25  }
0x1c0: {  	s21 =	sadd.s32 s24, s11;
	[smem:$0x7E4] =	sst s31  }
0x1c1: {  	s28 =	spop (v2sf);
	[smem:$0x7DF] =	sst s21  }
0x1c2: {  	s30 =	smulhi.u32 $0x66666667, s28;
	s0 =	sshra.s32 s28, $0x1F;
	s28 =	sld [smem:$0x768]  }
0x1c3: {  	s31 =	sld [smem:$0x76A]  }
0x1c4: {  	s19 =	sadd.s32 s17, s16;
	s25 =	sadd.s32 s26, s4;
	s4 =	sld [smem:$0x76C]  }
0x1c5: {  	[smem:$0x7EE] =	sst s19  }
0x1c6: {  	s2 =	spop (v2sf);
	[smem:$0x7E3] =	sst s25  }
0x1c7: {  	s0 =	smul.u32 $0x66666667, s0;
	[smem:$0x794] =	sst s30  }
0x1c8: {  	s18 =	smulhi.u32 $0x66666667, s2;
	s30 =	sld [smem:$0x769]  }
0x1c9: {  	[smem:$0x795] =	sst s0  }
0x1ca: {  	[smem:$0x796] =	sst s18  }
0x1cb: {  	s20 =	spop (v2sf);
	s0 =	sshra.s32 s2, $0x1F;
	s2 =	sld [smem:$0x76B]  }
0x1cc: {  	(v2sf) =	vpush v8, $0x1;
	s22 =	smulhi.u32 $0x66666667, s20;
	s1 =	sadd.s32 s28, s7;
	s7 =	sld [smem:$0x76D]  }
0x1cd: {  	s24 =	spop (v2sf);
	s18 =	sld [smem:$0x771]  }
0x1ce: {  	(v2sf) =	vpush v8, $0x2;
	s26 =	smulhi.u32 $0x66666667, s24;
	[smem:$0x798] =	sst s22  }
0x1cf: {  	[smem:$0x7E5] =	sst s1  }
0x1d0: {  	(v2sf) =	vpush v8, $0x3;
	[smem:$0x79A] =	sst s26  }
0x1d1: {  	s0 =	smul.u32 $0x66666667, s0;
	s1 =	sadd.s32 s31, s30;
	s30 =	sld [smem:$0x772]  }
0x1d2: {  	s31 =	sld [smem:$0x773]  }
0x1d3: {  	[smem:$0x797] =	sst s0  }
0x1d4: {  	(v2sf) =	vpush v8, $0x4;
	[smem:$0x7E6] =	sst s1  }
0x1d5: {  	s1 =	sadd.s32 s4, s2;
	s2 =	sld [smem:$0x774]  }
0x1d6: {  	[smem:$0x7E8] =	sst s1  }
0x1d7: {  	s1 =	sadd.s32 s8, s7;
	s7 =	sld [smem:$0x778]  }
0x1d8: {  	s8 =	sld [smem:$0x779]  }
0x1d9: {  	s0 =	sshra.s32 s20, $0x1F;
	[smem:$0x7E9] =	sst s1  }
0x1da: {  	(v2sf) =	vpush v8, $0x5;
	s0 =	smul.u32 $0x66666667, s0;
	s1 =	sadd.s32 s12, s6;
	s6 =	sld [smem:$0x777]  }
0x1db: {  	s29 =	spop (v2sf);
	s12 =	sld [smem:$0x77C]  }
0x1dc: {  	(v2sf) =	vpush v8, $0x6;
	s28 =	smulhi.u32 $0x66666667, s29;
	[smem:$0x799] =	sst s0  }
0x1dd: {  	s5 =	spop (v2sf);
	[smem:$0x7EB] =	sst s1;
	s1 =	sadd.s32 s18, s15  }
0x1de: {  	s25 =	smulhi.u32 $0x66666667, s5;
	[smem:$0x7ED] =	sst s1  }
0x1df: {  	(v2sf) =	vpush v8, $0x7;
	s11 =	spop (v2sf);
	s1 =	sadd.s32 s31, s30;
	s30 =	sld [smem:$0x77E]  }
0x1e0: {  	s23 =	smulhi.u32 $0x66666667, s11;
	s0 =	sshra.s32 s24, $0x1F;
	s31 =	sld [smem:$0x77F]  }
0x1e1: {  	v9 =	vmul.u32 $0x3716A676, v11;
	s26 =	smul.u32 $0x66666667, s0;
	s0 =	sshra.s32 s29, $0x1F;
	[smem:$0x7F1] =	sst s1  }
0x1e2: {  	s24 =	smul.u32 $0x66666667, s0;
	s0 =	sshra.s32 s5, $0x1F;
	s5 =	sld [smem:$0x776]  }
0x1e3: {  	v9 =	vadd.s32 $0x58E57D67, v9;
	s14 =	spop (v2sf);
	s1 =	sadd.s32 s3, s2;
	s3 =	sld [smem:$0x780]  }
0x1e4: {  	(v2sf) =	vpush v9, $0xD;
	s21 =	smulhi.u32 $0x66666667, s14;
	s2 =	sld [smem:$0x788]  }
0x1e5: {  	s22 =	smul.u32 $0x66666667, s0;
	s0 =	sshra.s32 s11, $0x1F;
	[smem:$0x7F3] =	sst s1  }
0x1e6: {  	(v2sf) =	vpush v9, $0xC;
	s11 =	sld [smem:$0x77B];
	s20 =	smul.u32 $0x66666667, s0;
	s0 =	sshra.s32 s14, $0x1F  }
0x1e7: {  	s24 =	sadd.s32 s24, s28;
	s1 =	sadd.s32 s6, s5;
	s6 =	sld [smem:$0x782]  }
0x1e8: {  	s18 =	smul.u32 $0x66666667, s0;
	[smem:$0x7FB] =	sst s24  }
0x1e9: {  	s29 =	spop (v2sf);
	[smem:$0x7F6] =	sst s1  }
0x1ea: {  	(v2sf) =	vpush v9, $0xE;
	s22 =	sadd.s32 s22, s25;
	s1 =	sadd.s32 s8, s7;
	s7 =	sld [smem:$0x783]  }
0x1eb: {  	s0 =	sshra.s32 s29, $0x1F;
	s4 =	spop (v2sf);
	s8 =	sld [smem:$0x784]  }
0x1ec: {  	[smem:$0x7FC] =	sst s22;
	s16 =	smul.u32 $0x66666667, s0  }
0x1ed: {  	s20 =	sadd.s32 s20, s23;
	s17 =	smulhi.u32 $0x66666667, s4;
	[dreg:$0x19] =	wrdreg s1  }
0x1ee: {  	s0 =	sshra.s32 s4, $0x1F;
	s9 =	spop (v2sf);
	s4 =	sld [smem:$0x781]  }
0x1ef: {  	s1 =	sadd.s32 s11, s10;
	[smem:$0x7FD] =	sst s20;
	s14 =	smul.u32 $0x66666667, s0  }
0x1f0: {  	(v2sf) =	vpush v9, $0xF;
	[smem:$0x7EF] =	sst s1;
	s15 =	smulhi.u32 $0x66666667, s9  }
0x1f1: {  	s0 =	sshra.s32 s9, $0x1F;
	s1 =	sadd.s32 s13, s12;
	s9 =	sld [smem:$0x785]  }
0x1f2: {  	s19 =	smulhi.u32 $0x66666667, s29;
	[smem:$0x7F2] =	sst s1  }
0x1f3: {  	s29 =	spop (v2sf);
	s1 =	sadd.s32 s31, s30;
	s30 =	sld [smem:$0x786]  }
0x1f4: {  	s12 =	smul.u32 $0x66666667, s0;
	s31 =	sld [smem:$0x787]  }
0x1f5: {  	s0 =	sshra.s32 s29, $0x1F;
	s5 =	spop (v2sf);
	[smem:$0x7F4] =	sst s1  }
0x1f6: {  	s1 =	sadd.s32 s4, s3;
	s10 =	smul.u32 $0x66666667, s0;
	s3 =	sld [smem:$0x789]  }
0x1f7: {  	s11 =	smulhi.u32 $0x66666667, s5;
	s0 =	sshra.s32 s5, $0x1F;
	s5 =	sld [smem:$0x78A]  }
0x1f8: {  	s13 =	smulhi.u32 $0x66666667, s29;
	[smem:$0x7F5] =	sst s1  }
0x1f9: {  	s29 =	spop (v2sf);
	s1 =	sadd.s32 s7, s6;
	s7 =	sld [smem:$0x78B]  }
0x1fa: {  	(v2sf) =	vpush v9, $0x9;
	[smem:$0x7F7] =	sst s1;
	s1 =	sadd.s32 s9, s8;
	s8 =	smul.u32 $0x66666667, s0  }
0x1fb: {  	s9 =	smulhi.u32 $0x66666667, s29;
	s0 =	sshra.s32 s29, $0x1F;
	s29 =	sld [smem:$0x78C]  }
0x1fc: {  	[smem:$0x7F8] =	sst s1  }
0x1fd: {  	(v2sf) =	vpush v9, $0x8;
	s1 =	sadd.s32 s31, s30;
	s30 =	sld [smem:$0x78D]  }
0x1fe: {  	[smem:$0x7F9] =	sst s1  }
0x1ff: {  	s4 =	spop (v2sf);
	s1 =	sadd.s32 s3, s2;
	s3 =	sld [smem:$0x78E]  }
0x200: {  	s6 =	smul.u32 $0x66666667, s0;
	s2 =	sld [smem:$0x792]  }
0x201: {  	s0 =	sshra.s32 s4, $0x1F;
	s8 =	sadd.s32 s8, s11;
	[smem:$0x7F0] =	sst s1  }
0x202: {  	s1 =	sadd.s32 s7, s5;
	s7 =	smulhi.u32 $0x66666667, s4;
	s4 =	sld [smem:$0x78F]  }
0x203: {  	[dreg:$0x16] =	wrdreg s8  }
0x204: {  	[dreg:$0x1f] =	wrdreg s1  }
0x205: {  	s1 =	sadd.s32 s30, s29;
	s29 =	sld [smem:$0x790]  }
0x206: {  	(v2sf) =	vpush v9, $0xA;
	s30 =	sld [smem:$0x791]  }
0x207: {  	[dreg:$0x1d] =	wrdreg s1;
	s1 =	sadd.s32 s4, s3  }
0x208: {  	(v2sf) =	vpush v9, $0xB;
	s5 =	smul.u32 $0x66666667, s0;
	[dreg:$0x1e] =	wrdreg s1  }
0x209: {  	(v2sf) =	vpush v9, $0x0;
	s31 =	spop (v2sf);
	s1 =	sadd.s32 s30, s29;
	s29 =	sld [smem:$0x793]  }
0x20a: {  	s0 =	sshra.s32 s31, $0x1F;
	s4 =	smulhi.u32 $0x66666667, s31;
	s30 =	sld [smem:$0x794]  }
0x20b: {  	s3 =	smul.u32 $0x66666667, s0;
	[dreg:$0x1c] =	wrdreg s1  }
0x20c: {  	s31 =	spop (v2sf);
	s1 =	sadd.s32 s29, s2;
	s29 =	sld [smem:$0x795]  }
0x20d: {  	(v2sf) =	vpush v9, $0x1;
	s0 =	sshra.s32 s31, $0x1F;
	s2 =	smulhi.u32 $0x66666667, s31;
	s31 =	sld [smem:$0x796]  }
0x20e: {  	[dreg:$0x1b] =	wrdreg s1  }
0x20f: {  	(v2sf) =	vpush v9, $0x2;
	s6 =	sadd.s32 s6, s9;
	s1 =	sadd.s32 s29, s30;
	s30 =	sld [smem:$0x797]  }
0x210: {  	[dreg:$0x15] =	wrdreg s6  }
0x211: {  	(v2sf) =	vpush v9, $0x3;
	s29 =	sld [smem:$0x798]  }
0x212: {  	(v2sf) =	vpush v9, $0x4;
	s5 =	sadd.s32 s5, s7;
	s31 =	sadd.s32 s30, s31;
	s30 =	sld [smem:$0x799]  }
0x213: {  	s25 =	sadd.s32 s18, s21;
	s23 =	sadd.s32 s16, s19;
	[dreg:$0x14] =	wrdreg s5  }
0x214: {  	s21 =	sadd.s32 s14, s17;
	[dreg:$0x1a] =	wrdreg s1;
	s1 =	smul.u32 $0x66666667, s0  }
0x215: {  	(v2sf) =	vpush v9, $0x5;
	s0 =	spop (v2sf);
	s29 =	sadd.s32 s30, s29;
	s30 =	sld [smem:$0x79A]  }
0x216: {  	s19 =	sadd.s32 s12, s15;
	[dreg:$0x18] =	wrdreg s31;
	s31 =	smulhi.u32 $0x66666667, s0  }
0x217: {  	(v2sf) =	vpush v9, $0x6;
	s0 =	sshra.s32 s0, $0x1F;
	[dreg:$0x17] =	wrdreg s29;
	s29 =	spop (v2sf)  }
0x218: {  	v10 =	vmul.u32 $0x5821CCC1, v11;
	s0 =	smul.u32 $0x66666667, s0;
	s26 =	sadd.s32 s26, s30;
	s30 =	spop (v2sf)  }
0x219: {  	s17 =	sadd.s32 s10, s13;
	[smem:$0x7FA] =	sst s26;
	s26 =	smulhi.u32 $0x66666667, s29  }
0x21a: {  	v10 =	vadd.s32 $0x6C74A409, v10;
	s3 =	sadd.s32 s3, s4;
	(v2sf) =	vpush v9, $0x7;
	s29 =	sshra.s32 s29, $0x1F;
	s22 =	smulhi.u32 $0x66666667, s30  }
0x21b: {  	[dreg:$0x12] =	wrdreg s3;
	(v2sf) =	vpush v10, $0xD;
	s24 =	smul.u32 $0x66666667, s29;
	s29 =	sshra.s32 s30, $0x1F  }
0x21c: {  	s1 =	sadd.s32 s1, s2;
	s30 =	spop (v2sf);
	s20 =	smul.u32 $0x66666667, s29  }
0x21d: {  	[dreg:$0x11] =	wrdreg s1;
	s18 =	smulhi.u32 $0x66666667, s30;
	s28 =	sshra.s32 s30, $0x1F  }
0x21e: {  	s0 =	sadd.s32 s0, s31;
	s29 =	spop (v2sf);
	s16 =	smul.u32 $0x66666667, s28  }
0x21f: {  	[dreg:$0x10] =	wrdreg s0;
	s14 =	smulhi.u32 $0x66666667, s29;
	s30 =	sshra.s32 s29, $0x1F  }
0x220: {  	s28 =	spop (v2sf);
	s11 =	sadd.s32 s24, s26;
	s12 =	smul.u32 $0x66666667, s30  }
0x221: {  	s10 =	smulhi.u32 $0x66666667, s28;
	s29 =	sshra.s32 s28, $0x1F;
	s30 =	spop (v2sf)  }
0x222: {  	[dreg:$0x13] =	wrdreg s11;
	s8 =	smul.u32 $0x66666667, s29  }
0x223: {  	s11 =	sld [smem:$0x79E];
	s6 =	smulhi.u32 $0x66666667, s30;
	s13 =	sshra.s32 s30, $0x1F  }
0x224: {  	s22 =	sadd.s32 s20, s22;
	s15 =	spop (v2sf);
	s5 =	smul.u32 $0x66666667, s13  }
0x225: {  	s24 =	sadd.s32 s16, s18;
	s28 =	smulhi.u32 $0x66666667, s15;
	s29 =	sshra.s32 s15, $0x1F  }
0x226: {  	s4 =	spop (v2sf);
	s18 =	sadd.s32 s12, s14;
	s30 =	smul.u32 $0x66666667, s29  }
0x227: {  	s7 =	smulhi.u32 $0x66666667, s4;
	s2 =	sshra.s32 s4, $0x1F;
	s8 =	sadd.s32 s8, s10  }
0x228: {  	s12 =	sshra.s32 s11, $0x5;
	s14 =	sshrl.u32 s11, $0x1F;
	s2 =	smul.u32 $0x66666667, s2  }
0x229: {  	[dreg:$0xe] =	wrdreg s8;
	s31 =	sadd.s32 s5, s6;
	s13 =	spop (v2sf)  }
0x22a: {  	s15 =	smulhi.u32 $0x66666667, s13;
	s4 =	sshra.s32 s13, $0x1F;
	s16 =	spop (v2sf)  }
0x22b: {  	s13 =	sld [smem:$0x79C];
	s20 =	smulhi.u32 $0x66666667, s16;
	s9 =	sshra.s32 s16, $0x1F  }
0x22c: {  	s6 =	sld [smem:$0x79B];
	s30 =	sadd.s32 s30, s28;
	s26 =	smul.u32 $0x66666667, s9  }
0x22d: {  	s29 =	sadd.s32 s2, s7;
	s4 =	smul.u32 $0x66666667, s4;
	s9 =	sld [smem:$0x79D]  }
0x22e: {  	s8 =	sshra.s32 s13, $0x1F;
	s26 =	sadd.s32 s26, s20;
	s20 =	sld [smem:$0x7A0]  }
0x22f: {  	s7 =	sshrl.u32 s6, $0x1F;
	s1 =	sshra.s32 s6, $0x5;
	s16 =	sld [smem:$0x79F];
	v12 =	vmov s8  }
0x230: {  	s28 =	sadd.s32 s4, s15;
	v12 =	vsel vm3, s12, v12;
	s12 =	sld [smem:$0x7A3];
	s10 =	sshrl.u32 s9, $0x1F  }
0x231: {  	s15 =	sshra.s32 s11, $0x1F;
	v13 =	vmov s10;
	s10 =	sld [smem:$0x7A1];
	s6 =	sshra.s32 s20, $0x5  }
0x232: {  	v14 =	vmov s14;
	v13 =	vsel vm0, s7, v13;
	s7 =	sshrl.u32 s20, $0x1F;
	s8 =	sshra.s32 s20, $0x1F;
	s20 =	sld [smem:$0x7A5]  }
0x233: {  	[dreg:$0xf] =	wrdreg s18;
	v14 =	vnsel vm3, $0x0, v14;
	s18 =	sshrl.u32 s16, $0x1F;
	s2 =	sshra.s32 s9, $0x5;
	v12 =	vsel vm9, s15, v12  }
0x234: {  	s14 =	sshrl.u32 s12, $0x1F;
	v13 =	vsel vm1, s18, v13;
	v15 =	vsel vm0, s6, v12;
	v49 =	vsel vm0, s7, v14;
	s6 =	sld [smem:$0x7A2];
	s9 =	sshrl.u32 s10, $0x1F  }
0x235: {  	v50 =	vsel vm10, s8, v15;
	s8 =	sld [smem:$0x7A4];
	v12 =	vsel vm2, s9, v13;
	v13 =	vsel vm1, s14, v49;
	s9 =	sshrl.u32 s20, $0x1F  }
0x236: {  	s3 =	sshra.s32 s16, $0x5;
	s15 =	sshra.s32 s12, $0x5;
	v13 =	vsel vm2, s9, v13;
	s9 =	sld [smem:$0x7A6]  }
0x237: {  	s16 =	sshra.s32 s12, $0x1F;
	s12 =	sld [smem:$0x7A7];
	s11 =	sshrl.u32 s6, $0x1F  }
0x238: {  	s0 =	sshra.s32 s10, $0x5;
	s10 =	sld [smem:$0x7AA];
	v51 =	vmov s11;
	s18 =	sshrl.u32 s8, $0x1F  }
0x239: {  	s7 =	sld [smem:$0x7A8];
	v14 =	vsel vm1, s15, v50;
	v15 =	vsel vm0, s18, v51;
	s11 =	sshrl.u32 s9, $0x1F  }
0x23a: {  	s14 =	sshrl.u32 s12, $0x1F;
	s15 =	sshra.s32 s20, $0x5;
	v14 =	vsel vm11, s16, v14;
	v15 =	vsel vm1, s11, v15;
	s11 =	sld [smem:$0x7A9]  }
0x23b: {  	s16 =	sshra.s32 s20, $0x1F;
	s6 =	sshra.s32 s6, $0x5;
	v13 =	vsel vm4, s14, v13;
	v16 =	vsel vm2, s15, v14;
	s14 =	sshrl.u32 s10, $0x1F  }
0x23c: {  	v53 =	vmov s2;
	s15 =	sshra.s32 s12, $0x5;
	v17 =	vmov s6;
	s6 =	sld [smem:$0x7AC];
	s18 =	sshrl.u32 s7, $0x1F;
	v52 =	vsel vm12, s16, v16  }
0x23d: {  	s16 =	sshra.s32 s8, $0x5;
	v16 =	vsel vm0, s1, v53;
	v14 =	vsel vm2, s18, v15;
	v15 =	vsel vm4, s15, v52;
	s18 =	sshra.s32 s12, $0x1F;
	s20 =	sshrl.u32 s11, $0x1F  }
0x23e: {  	s8 =	sshra.s32 s9, $0x5;
	v16 =	vsel vm1, s3, v16;
	v15 =	vsel vm13, s18, v15;
	s18 =	sshra.s32 s13, $0x5;
	s9 =	sshra.s32 s11, $0x5;
	v13 =	vsel vm5, s20, v13  }
0x23f: {  	v54 =	vsel vm0, s16, v17;
	s20 =	sshrl.u32 s13, $0x1F;
	v18 =	vsel vm5, s9, v15;
	s13 =	sld [smem:$0x7AB];
	v13 =	vsel vm6, s14, v13;
	s14 =	sshra.s32 s11, $0x1F  }
0x240: {  	s12 =	sshra.s32 s7, $0x5;
	s15 =	sshra.s32 s10, $0x5;
	v15 =	vsel vm2, s0, v16;
	v16 =	vsel vm1, s8, v54;
	s8 =	sld [smem:$0x7AD];
	v55 =	vsel vm14, s14, v18  }
0x241: {  	s16 =	sshra.s32 s10, $0x1F;
	v18 =	vsel vm2, s12, v16;
	s12 =	sld [smem:$0x7AE];
	v17 =	vsel vm6, s15, v55  }
0x242: {  	s7 =	sshrl.u32 s6, $0x1F;
	v13 =	vsel vm7, s20, v13;
	s20 =	sshra.s32 s13, $0x1F;
	s15 =	sld [smem:$0x7AF];
	v56 =	vsel vm15, s16, v17  }
0x243: {  	s0 =	sshra.s32 s6, $0x5;
	s9 =	sshra.s32 s8, $0x5;
	v19 =	vmov s20;
	v16 =	vsel vm7, s18, v56;
	s18 =	sld [smem:$0x7B0]  }
0x244: {  	s11 =	sshra.s32 s8, $0x1F;
	v57 =	vsel vm3, s9, v19;
	s14 =	sshrl.u32 s12, $0x1F;
	s9 =	sld [smem:$0x7B1]  }
0x245: {  	s10 =	sshrl.u32 s8, $0x1F;
	s2 =	sshra.s32 s12, $0x5;
	v58 =	vmov s14;
	v17 =	vsel vm9, s11, v57;
	s11 =	sld [smem:$0x7B2]  }
0x246: {  	s16 =	sshrl.u32 s15, $0x1F;
	v19 =	vsel vm0, s7, v58;
	s7 =	sld [smem:$0x7B6];
	s20 =	sshra.s32 s18, $0x5  }
0x247: {  	v20 =	vmov s10;
	s1 =	sshra.s32 s15, $0x5;
	s8 =	sshra.s32 s18, $0x1F;
	v17 =	vsel vm0, s20, v17;
	s20 =	sld [smem:$0x7B5]  }
0x248: {  	v20 =	vnsel vm3, $0x0, v20;
	s6 =	sshrl.u32 s18, $0x1F;
	v19 =	vsel vm1, s16, v19;
	s10 =	sshrl.u32 s9, $0x1F;
	v21 =	vsel vm10, s8, v17;
	s8 =	sld [smem:$0x7B3]  }
0x249: {  	s12 =	sshra.s32 s11, $0x5;
	v59 =	vsel vm0, s6, v20;
	s14 =	sshrl.u32 s11, $0x1F;
	v17 =	vsel vm2, s10, v19;
	s10 =	sld [smem:$0x7B4]  }
0x24a: {  	s5 =	sshra.s32 s9, $0x5;
	s15 =	sshra.s32 s11, $0x1F;
	v19 =	vsel vm1, s14, v59;
	s14 =	sld [smem:$0x7B7];
	v60 =	vsel vm1, s12, v21  }
0x24b: {  	s12 =	sshrl.u32 s7, $0x1F;
	v20 =	vsel vm11, s15, v60;
	s9 =	sshra.s32 s20, $0x5;
	s16 =	sshrl.u32 s8, $0x1F  }
0x24c: {  	s11 =	sshra.s32 s20, $0x1F;
	s18 =	sshrl.u32 s10, $0x1F;
	v20 =	vsel vm2, s9, v20;
	s9 =	sld [smem:$0x7B8];
	v61 =	vmov s16  }
0x24d: {  	s6 =	sshrl.u32 s20, $0x1F;
	s15 =	sshrl.u32 s14, $0x1F;
	v20 =	vsel vm12, s11, v20;
	s11 =	sld [smem:$0x7B9];
	v21 =	vsel vm0, s18, v61  }
0x24e: {  	s20 =	sshra.s32 s14, $0x5;
	v21 =	vsel vm1, s12, v21;
	s12 =	sshra.s32 s14, $0x1F;
	s14 =	sld [smem:$0x7BA]  }
0x24f: {  	v19 =	vsel vm2, s6, v19;
	s6 =	sshra.s32 s7, $0x5;
	s16 =	sshrl.u32 s9, $0x1F;
	s7 =	sshra.s32 s9, $0x5  }
0x250: {  	v20 =	vsel vm4, s20, v20;
	s18 =	sshrl.u32 s11, $0x1F;
	v21 =	vsel vm2, s16, v21;
	s16 =	sshra.s32 s8, $0x5;
	s20 =	sshra.s32 s11, $0x5  }
0x251: {  	v19 =	vsel vm4, s15, v19;
	v20 =	vsel vm13, s12, v20;
	s9 =	sshra.s32 s11, $0x1F;
	s8 =	sld [smem:$0x7BE];
	s15 =	sshrl.u32 s14, $0x1F  }
0x252: {  	v19 =	vsel vm5, s18, v19;
	v20 =	vsel vm5, s20, v20;
	s11 =	sshra.s32 s14, $0x5;
	s12 =	sshra.s32 s14, $0x1F;
	s14 =	sld [smem:$0x7BC]  }
0x253: {  	s18 =	sshrl.u32 s13, $0x1F;
	v20 =	vsel vm14, s9, v20;
	v19 =	vsel vm6, s15, v19;
	s15 =	sld [smem:$0x7BB]  }
0x254: {  	v22 =	vmov s2;
	s3 =	sshra.s32 s10, $0x5;
	v20 =	vsel vm6, s11, v20;
	s9 =	sshra.s32 s8, $0x5;
	v19 =	vsel vm7, s18, v19;
	s18 =	sld [smem:$0x7BD]  }
0x255: {  	v22 =	vsel vm0, s0, v22;
	v23 =	vmov s16;
	s10 =	sshrl.u32 s8, $0x1F;
	v20 =	vsel vm15, s12, v20;
	s12 =	sld [smem:$0x7BF];
	s16 =	sshra.s32 s14, $0x1F  }
0x256: {  	v22 =	vsel vm1, s1, v22;
	v62 =	vsel vm0, s3, v23;
	s3 =	sshrl.u32 s15, $0x1F;
	s0 =	sshra.s32 s15, $0x5;
	s15 =	sld [smem:$0x7C0]  }
0x257: {  	v24 =	vsel vm2, s5, v22;
	v63 =	vmov s16;
	s20 =	sshrl.u32 s18, $0x1F;
	s4 =	sshra.s32 s18, $0x5;
	s18 =	sld [smem:$0x7C1]  }
0x258: {  	s13 =	sshra.s32 s13, $0x5;
	v22 =	vsel vm1, s6, v62;
	s11 =	sshra.s32 s8, $0x1F;
	s8 =	sld [smem:$0x7C7];
	v31 =	vmov s10;
	v29 =	vsel vm3, s9, v63  }
0x259: {  	v25 =	vsel vm7, s13, v20;
	s13 =	sshrl.u32 s12, $0x1F;
	v30 =	vmov s20;
	v20 =	vsel vm9, s11, v29;
	s11 =	sld [smem:$0x7C2];
	s16 =	sshrl.u32 s15, $0x1F  }
0x25a: {  	v28 =	vsel vm2, s7, v22;
	v23 =	vnsel vm3, $0x0, v31;
	v22 =	vsel vm0, s3, v30;
	s3 =	sshra.s32 s15, $0x5;
	s15 =	sld [smem:$0x7C3];
	s9 =	sshrl.u32 s18, $0x1F  }
0x25b: {  	s1 =	sshra.s32 s12, $0x5;
	s20 =	sshra.s32 s18, $0x5;
	v26 =	vsel vm0, s9, v23;
	s9 =	sld [smem:$0x7C4]  }
0x25c: {  	s10 =	sshra.s32 s18, $0x1F;
	v20 =	vsel vm0, s20, v20;
	s12 =	sshrl.u32 s11, $0x1F;
	s20 =	sld [smem:$0x7C5]  }
0x25d: {  	v22 =	vsel vm1, s13, v22;
	s13 =	sshra.s32 s11, $0x5;
	s7 =	sshra.s32 s11, $0x1F;
	v20 =	vsel vm10, s10, v20;
	s10 =	sld [smem:$0x7C9]  }
0x25e: {  	v23 =	vsel vm2, s16, v22;
	s16 =	sshrl.u32 s15, $0x1F;
	v20 =	vsel vm1, s13, v20;
	s13 =	sld [smem:$0x7C6];
	s18 =	sshrl.u32 s9, $0x1F  }
0x25f: {  	v32 =	vsel vm1, s12, v26;
	s5 =	sshra.s32 s15, $0x5;
	s11 =	sshrl.u32 s20, $0x1F;
	v20 =	vsel vm11, s7, v20;
	s15 =	sshra.s32 s20, $0x5;
	v33 =	vmov s18  }
0x260: {  	v22 =	vsel vm2, s11, v32;
	v20 =	vsel vm2, s15, v20;
	s18 =	sshrl.u32 s8, $0x1F;
	s11 =	sld [smem:$0x7C8];
	v26 =	vsel vm0, s16, v33;
	s16 =	sshra.s32 s20, $0x1F  }
0x261: {  	s6 =	sshrl.u32 s10, $0x1F;
	s12 =	sshrl.u32 s13, $0x1F;
	s15 =	sshra.s32 s13, $0x5;
	v20 =	vsel vm12, s16, v20  }
0x262: {  	v22 =	vsel vm4, s12, v22;
	v26 =	vsel vm1, s18, v26;
	s12 =	sld [smem:$0x7CA];
	s16 =	sshra.s32 s9, $0x5;
	s18 =	sshra.s32 s13, $0x1F;
	v20 =	vsel vm4, s15, v20  }
0x263: {  	s9 =	sshra.s32 s10, $0x5;
	s10 =	sshra.s32 s11, $0x5;
	v27 =	vmov s16;
	s16 =	sld [smem:$0x7CC];
	v20 =	vsel vm13, s18, v20  }
0x264: {  	s8 =	sshra.s32 s8, $0x5;
	s20 =	sshrl.u32 s11, $0x1F;
	v27 =	vsel vm0, s5, v27;
	v20 =	vsel vm5, s10, v20;
	s10 =	sld [smem:$0x7CB]  }
0x265: {  	v34 =	vmov s4;
	s11 =	sshra.s32 s11, $0x1F;
	s7 =	sshrl.u32 s12, $0x1F;
	v35 =	vsel vm1, s8, v27;
	s8 =	sld [smem:$0x7CE]  }
0x266: {  	v29 =	vsel vm2, s6, v26;
	v26 =	vsel vm0, s0, v34;
	s13 =	sshra.s32 s12, $0x5;
	s15 =	sshra.s32 s12, $0x1F;
	s12 =	sld [smem:$0x7CF];
	v20 =	vsel vm14, s11, v20  }
0x267: {  	v22 =	vsel vm5, s20, v22;
	s20 =	sshrl.u32 s14, $0x1F;
	v26 =	vsel vm1, s1, v26;
	s18 =	sshrl.u32 s16, $0x1F;
	v20 =	vsel vm6, s13, v20;
	s13 =	sld [smem:$0x7CD]  }
0x268: {  	s5 =	sshra.s32 s14, $0x5;
	v22 =	vsel vm6, s7, v22;
	v37 =	vmov s18;
	s18 =	sld [smem:$0x7D0];
	s11 =	sshrl.u32 s10, $0x1F;
	v20 =	vsel vm15, s15, v20  }
0x269: {  	v33 =	vsel vm2, s9, v35;
	s0 =	sshra.s32 s10, $0x5;
	s9 =	sshrl.u32 s8, $0x1F;
	v30 =	vsel vm7, s5, v20;
	v20 =	vsel vm0, s11, v37;
	s11 =	sld [smem:$0x7D2]  }
0x26a: {  	v31 =	vsel vm2, s3, v26;
	v22 =	vsel vm7, s20, v22;
	s15 =	sshrl.u32 s12, $0x1F;
	s10 =	sld [smem:$0x7D1];
	s20 =	sshra.s32 s13, $0x1F  }
0x26b: {  	s3 =	sshra.s32 s16, $0x5;
	s14 =	sshra.s32 s12, $0x5;
	v38 =	vmov s15;
	v20 =	vsel vm1, s9, v20;
	v36 =	vmov s20;
	s20 =	sshrl.u32 s18, $0x1F  }
0x26c: {  	s6 =	sshra.s32 s8, $0x5;
	v27 =	vnsel vm3, $0x0, v38;
	v26 =	vsel vm3, s14, v36;
	s14 =	sshrl.u32 s11, $0x1F;
	v20 =	vsel vm2, s20, v20;
	s20 =	sld [smem:$0x7D4]  }
0x26d: {  	s16 =	sshra.s32 s12, $0x1F;
	s2 =	sshrl.u32 s10, $0x1F;
	v27 =	vsel vm0, s14, v27;
	s14 =	sld [smem:$0x7D5]  }
0x26e: {  	s4 =	sshra.s32 s10, $0x5;
	s10 =	sld [smem:$0x7D6];
	s12 =	sshra.s32 s11, $0x5;
	v26 =	vsel vm9, s16, v26  }
0x26f: {  	s15 =	sshra.s32 s11, $0x1F;
	s16 =	sld [smem:$0x7D3];
	v26 =	vsel vm0, s12, v26;
	s8 =	sshrl.u32 s20, $0x1F  }
0x270: {  	v26 =	vsel vm10, s15, v26;
	s11 =	sshra.s32 s20, $0x5;
	s12 =	sshra.s32 s20, $0x1F;
	s15 =	sshrl.u32 s14, $0x1F  }
0x271: {  	s20 =	sshra.s32 s14, $0x5;
	s9 =	sshra.s32 s14, $0x1F;
	s14 =	sld [smem:$0x7D8]  }
0x272: {  	s1 =	sshra.s32 s18, $0x5;
	s18 =	sshrl.u32 s16, $0x1F;
	v26 =	vsel vm1, s11, v26;
	s11 =	sld [smem:$0x7D9]  }
0x273: {  	v32 =	vmov s18;
	v26 =	vsel vm11, s12, v26;
	s12 =	sld [smem:$0x7D7]  }
0x274: {  	v27 =	vsel vm1, s8, v27;
	s5 =	sshra.s32 s16, $0x5;
	s16 =	sshrl.u32 s10, $0x1F;
	v32 =	vsel vm0, s2, v32;
	s2 =	sshra.s32 s10, $0x5  }
0x275: {  	v27 =	vsel vm2, s15, v27;
	v34 =	vsel vm2, s20, v26;
	s10 =	sld [smem:$0x7DA];
	v32 =	vsel vm1, s16, v32;
	s15 =	sshrl.u32 s14, $0x1F;
	s16 =	sshrl.u32 s11, $0x1F  }
0x276: {  	v39 =	vsel vm12, s9, v34;
	s7 =	sshra.s32 s14, $0x5;
	s18 =	sshrl.u32 s12, $0x1F;
	s20 =	sshra.s32 s12, $0x5  }
0x277: {  	v26 =	vsel vm2, s15, v32;
	s14 =	sshra.s32 s12, $0x1F;
	s15 =	sshrl.u32 s13, $0x1F;
	s12 =	sld [smem:$0x7DB];
	v27 =	vsel vm4, s18, v27;
	v32 =	vsel vm4, s20, v39  }
0x278: {  	s18 =	sshrl.u32 s10, $0x1F;
	v27 =	vsel vm5, s16, v27;
	v32 =	vsel vm13, s14, v32;
	s16 =	sshra.s32 s11, $0x5;
	s14 =	sld [smem:$0x7DD]  }
0x279: {  	v27 =	vsel vm6, s18, v27;
	s18 =	sshra.s32 s11, $0x1F;
	v36 =	vsel vm5, s16, v32;
	s11 =	sshra.s32 s13, $0x5;
	s13 =	sld [smem:$0x7DC]  }
0x27a: {  	v40 =	vmov s3;
	s20 =	sshra.s32 s10, $0x5;
	v42 =	vsel vm14, s18, v36;
	s18 =	sld [smem:$0x7DF]  }
0x27b: {  	v35 =	vmov s5;
	v34 =	vsel vm0, s0, v40;
	s10 =	sshra.s32 s10, $0x1F;
	s9 =	sshrl.u32 s12, $0x1F;
	s16 =	sld [smem:$0x7DE]  }
0x27c: {  	v41 =	vsel vm0, s4, v35;
	v34 =	vsel vm1, s6, v34;
	s0 =	sshra.s32 s12, $0x5;
	s12 =	sld [smem:$0x7E1];
	v27 =	vsel vm7, s15, v27;
	s15 =	sshra.s32 s14, $0x1F  }
0x27d: {  	v32 =	vsel vm2, s1, v34;
	v34 =	vsel vm1, s2, v41;
	v36 =	vsel vm6, s20, v42;
	s4 =	sshrl.u32 s13, $0x1F;
	s3 =	sshra.s32 s13, $0x5;
	s20 =	sshra.s32 s18, $0x5  }
0x27e: {  	v35 =	vsel vm2, s7, v34;
	v37 =	vmov s15;
	v43 =	vsel vm15, s10, v36;
	s7 =	sshrl.u32 s18, $0x1F;
	s10 =	sshra.s32 s18, $0x1F;
	s18 =	sld [smem:$0x7E2]  }
0x27f: {  	s8 =	sshrl.u32 s16, $0x1F;
	s1 =	sshra.s32 s16, $0x5;
	v44 =	vsel vm3, s20, v37;
	v45 =	vmov s7;
	s20 =	sld [smem:$0x7E3]  }
0x280: {  	s13 =	sshra.s32 s12, $0x5;
	s15 =	sshrl.u32 s12, $0x1F;
	v34 =	vsel vm7, s11, v43;
	s11 =	sld [smem:$0x7E0];
	v36 =	vsel vm9, s10, v44;
	v37 =	vnsel vm3, $0x0, v45  }
0x281: {  	s16 =	sshra.s32 s12, $0x1F;
	v36 =	vsel vm0, s13, v36;
	s7 =	sshrl.u32 s18, $0x1F;
	v37 =	vsel vm0, s15, v37;
	s15 =	sld [smem:$0x7E4]  }
0x282: {  	v38 =	vmov s4;
	s4 =	sshra.s32 s18, $0x5;
	s18 =	sld [smem:$0x7E5];
	v36 =	vsel vm10, s16, v36;
	s12 =	sshra.s32 s20, $0x5  }
0x283: {  	v38 =	vsel vm0, s9, v38;
	s5 =	sshrl.u32 s11, $0x1F;
	s2 =	sshra.s32 s11, $0x5;
	v39 =	vsel vm1, s12, v36;
	s12 =	sld [smem:$0x7E6]  }
0x284: {  	v38 =	vsel vm1, s8, v38;
	s11 =	sshrl.u32 s20, $0x1F;
	s13 =	sshra.s32 s20, $0x1F;
	s16 =	sshrl.u32 s15, $0x1F  }
0x285: {  	v37 =	vsel vm1, s11, v37;
	s20 =	sshrl.u32 s18, $0x1F;
	v46 =	vsel vm11, s13, v39;
	s13 =	sshra.s32 s18, $0x5;
	v47 =	vmov s16;
	s16 =	sld [smem:$0x7E7]  }
0x286: {  	s8 =	sshra.s32 s14, $0x5;
	v36 =	vsel vm2, s5, v38;
	v37 =	vsel vm2, s20, v37;
	v38 =	vsel vm2, s13, v46;
	s13 =	sld [smem:$0x7E8];
	s10 =	sshrl.u32 s12, $0x1F  }
0x287: {  	s5 =	sshra.s32 s15, $0x5;
	s15 =	sshra.s32 s18, $0x1F;
	v37 =	vsel vm4, s10, v37;
	s10 =	sshra.s32 s12, $0x5  }
0x288: {  	v38 =	vsel vm12, s15, v38;
	s18 =	sshrl.u32 s16, $0x1F;
	s6 =	sshra.s32 s16, $0x5;
	s16 =	sld [smem:$0x7EA]  }
0x289: {  	s11 =	sld [smem:$0x7E9];
	s15 =	sshra.s32 s12, $0x1F;
	s20 =	sshrl.u32 s13, $0x1F;
	v40 =	vsel vm4, s10, v38  }
0x28a: {  	v39 =	vsel vm0, s7, v47;
	s12 =	sshra.s32 s13, $0x5;
	v48 =	vsel vm13, s15, v40;
	s15 =	sshra.s32 s13, $0x1F;
	s13 =	sld [smem:$0x7ED]  }
0x28b: {  	v37 =	vsel vm5, s20, v37;
	v39 =	vsel vm1, s18, v39;
	s20 =	sshrl.u32 s14, $0x1F;
	s14 =	sld [smem:$0x7EE];
	s18 =	sshrl.u32 s16, $0x1F  }
0x28c: {  	s9 =	sshrl.u32 s11, $0x1F;
	v38 =	vsel vm2, s18, v39;
	v39 =	vsel vm5, s12, v48;
	s12 =	sld [smem:$0x7F0]  }
0x28d: {  	v49 =	vmov s3;
	v37 =	vsel vm6, s9, v37;
	s7 =	sshra.s32 s16, $0x5;
	s16 =	sshra.s32 s11, $0x5;
	v39 =	vsel vm14, s15, v39;
	s15 =	sld [smem:$0x7EF]  }
0x28e: {  	v41 =	vmov s5;
	v37 =	vsel vm7, s20, v37;
	s20 =	sld [smem:$0x7EB];
	s18 =	sshra.s32 s11, $0x1F;
	v39 =	vsel vm6, s16, v39  }
0x28f: {  	v41 =	vsel vm0, s4, v41;
	v40 =	vsel vm0, s0, v49;
	s9 =	sld [smem:$0x7EC];
	v39 =	vsel vm15, s18, v39;
	s18 =	sshra.s32 s12, $0x1F  }
0x290: {  	v42 =	vsel vm1, s6, v41;
	v40 =	vsel vm1, s1, v40;
	s6 =	sshrl.u32 s13, $0x1F;
	s1 =	sshra.s32 s13, $0x5;
	v43 =	vmov s18;
	s13 =	sshra.s32 s15, $0x5  }
0x291: {  	s5 =	sshrl.u32 s14, $0x1F;
	s4 =	sshrl.u32 s20, $0x1F;
	v43 =	vsel vm3, s13, v43;
	s13 =	sld [smem:$0x7F2]  }
0x292: {  	s0 =	sshra.s32 s20, $0x5;
	s20 =	sld [smem:$0x7F1];
	s16 =	sshrl.u32 s15, $0x1F  }
0x293: {  	v41 =	vsel vm2, s2, v40;
	s2 =	sshra.s32 s14, $0x5;
	s14 =	sshra.s32 s15, $0x1F;
	v50 =	vmov s16;
	s16 =	sld [smem:$0x7F3]  }
0x294: {  	s11 =	sshrl.u32 s9, $0x1F;
	v40 =	vnsel vm3, $0x0, v50;
	v43 =	vsel vm9, s14, v43;
	s14 =	sld [smem:$0x7F4];
	s15 =	sshrl.u32 s13, $0x1F  }
0x295: {  	v44 =	vmov s11;
	v40 =	vsel vm0, s15, v40;
	s15 =	sld [smem:$0x7F5]  }
0x296: {  	v42 =	vsel vm2, s7, v42;
	v44 =	vsel vm0, s4, v44;
	v39 =	vsel vm7, s8, v39;
	s7 =	sshrl.u32 s20, $0x1F;
	s8 =	sshra.s32 s20, $0x5;
	s4 =	sshrl.u32 s16, $0x1F  }
0x297: {  	v44 =	vsel vm1, s6, v44;
	s6 =	sshra.s32 s16, $0x5;
	s16 =	sld [smem:$0x7F6];
	s18 =	sshrl.u32 s14, $0x1F  }
0x298: {  	s20 =	sshra.s32 s13, $0x5;
	s11 =	sshra.s32 s13, $0x1F;
	v45 =	vsel vm1, s18, v40;
	s13 =	sshrl.u32 s15, $0x1F  }
0x299: {  	v43 =	vsel vm0, s20, v43;
	s20 =	sshra.s32 s14, $0x5;
	v51 =	vsel vm2, s13, v45;
	s13 =	sld [smem:$0x7F7]  }
0x29a: {  	v52 =	vmov s4;
	v40 =	vsel vm2, s5, v44;
	v43 =	vsel vm10, s11, v43;
	s5 =	sshrl.u32 s16, $0x1F;
	s4 =	sshra.s32 s16, $0x5;
	s16 =	sld [smem:$0x7F8]  }
0x29b: {  	s14 =	sshra.s32 s14, $0x1F;
	v43 =	vsel vm1, s20, v43;
	s20 =	rddreg [dreg:$0x19]  }
0x29c: {  	v43 =	vsel vm11, s14, v43;
	s14 =	sld [smem:$0x7F9];
	s18 =	sshrl.u32 s13, $0x1F  }
0x29d: {  	s11 =	sshrl.u32 s12, $0x1F;
	v45 =	vsel vm0, s7, v52;
	s7 =	sshrl.u32 s20, $0x1F;
	v44 =	vsel vm4, s18, v51;
	s18 =	sshrl.u32 s16, $0x1F  }
0x29e: {  	v45 =	vsel vm1, s5, v45;
	s5 =	sshra.s32 s20, $0x5;
	s20 =	sshra.s32 s15, $0x1F;
	v44 =	vsel vm5, s18, v44;
	s18 =	sshra.s32 s15, $0x5  }
0x29f: {  	v55 =	vmov s6;
	s10 =	sshrl.u32 s14, $0x1F;
	s15 =	sshra.s32 s13, $0x5;
	v47 =	vsel vm2, s18, v43;
	s18 =	sshra.s32 s13, $0x1F  }
0x2a0: {  	v46 =	vsel vm6, s10, v44;
	s13 =	sshra.s32 s16, $0x1F;
	v53 =	vsel vm12, s20, v47;
	s20 =	sshra.s32 s16, $0x5;
	v47 =	vsel vm0, s8, v55;
	s16 =	rddreg [dreg:$0x1f]  }
0x2a1: {  	s3 =	sshra.s32 s9, $0x5;
	v43 =	vsel vm7, s11, v46;
	s11 =	sshra.s32 s14, $0x1F;
	v47 =	vsel vm1, s4, v47;
	s4 =	rddreg [dreg:$0x1e]  }
0x2a2: {  	v54 =	vmov s3;
	v44 =	vsel vm2, s7, v45;
	v45 =	vsel vm4, s15, v53;
	s9 =	sshrl.u32 s16, $0x1F;
	s3 =	sshra.s32 s16, $0x5;
	s16 =	sld [smem:$0x7FA]  }
0x2a3: {  	s8 =	sshra.s32 s12, $0x5;
	s15 =	sshra.s32 s14, $0x5;
	v45 =	vsel vm13, s18, v45;
	s18 =	rddreg [dreg:$0x1d]  }
0x2a4: {  	v46 =	vsel vm0, s0, v54;
	v45 =	vsel vm5, s20, v45;
	s20 =	sshrl.u32 s18, $0x1F;
	s10 =	sshra.s32 s18, $0x5;
	s18 =	rddreg [dreg:$0x1a]  }
0x2a5: {  	v46 =	vsel vm1, s1, v46;
	s12 =	sshrl.u32 s4, $0x1F;
	v45 =	vsel vm14, s13, v45;
	s13 =	rddreg [dreg:$0x1c];
	s14 =	sshrl.u32 s16, $0x1F  }
0x2a6: {  	s1 =	sshra.s32 s4, $0x5;
	v48 =	vmov s20;
	s20 =	sshrl.u32 s18, $0x1F;
	v45 =	vsel vm6, s15, v45;
	v49 =	vmov s14;
	s14 =	sld [smem:$0x7FB]  }
0x2a7: {  	v47 =	vsel vm2, s5, v47;
	s5 =	sshrl.u32 s13, $0x1F;
	s4 =	sshra.s32 s13, $0x5;
	s13 =	rddreg [dreg:$0x18];
	v45 =	vsel vm15, s11, v45  }
0x2a8: {  	v46 =	vsel vm2, s2, v46;
	v50 =	vsel vm0, s9, v48;
	s2 =	sshra.s32 s13, $0x5;
	v48 =	vsel vm7, s8, v45;
	s8 =	sshrl.u32 s13, $0x1F;
	s13 =	sld [smem:$0x7FC]  }
0x2a9: {  	v52 =	vmov s10;
	s10 =	sshra.s32 s25, $0x1F;
	s15 =	rddreg [dreg:$0x1b];
	s9 =	sshra.s32 s18, $0x5  }
0x2aa: {  	v57 =	vmov s20;
	s20 =	sshra.s32 s19, $0x1F;
	s6 =	sshrl.u32 s15, $0x1F;
	v49 =	vnsel vm3, $0x0, v49;
	s11 =	sshrl.u32 s14, $0x1F  }
0x2ab: {  	(v2sf) =	vpush v10, $0xC;
	s0 =	sshra.s32 s15, $0x5;
	v56 =	vsel vm1, s12, v50;
	s12 =	rddreg [dreg:$0x17];
	v49 =	vsel vm0, s11, v49;
	s15 =	sshrl.u32 s13, $0x1F  }
0x2ac: {  	v45 =	vsel vm2, s5, v56;
	s5 =	sshrl.u32 s12, $0x1F;
	v50 =	vsel vm0, s6, v57;
	s7 =	sshra.s32 s12, $0x5;
	v49 =	vsel vm1, s15, v49;
	s15 =	sld [smem:$0x7FD]  }
0x2ad: {  	(v2sf) =	vpush v10, $0xE;
	v51 =	vmov s20;
	s12 =	sshra.s32 s16, $0x5;
	s16 =	sshra.s32 s16, $0x1F;
	v50 =	vsel vm1, s8, v50;
	s8 =	rddreg [dreg:$0x16]  }
0x2ae: {  	v11 =	vmul.u32 $0x1A4EB344, v11;
	(v2sf) =	vpush v10, $0xF;
	v51 =	vsel vm3, s12, v51;
	s20 =	sshra.s32 s14, $0x5;
	s6 =	sshra.s32 s14, $0x1F;
	s12 =	rddreg [dreg:$0x13]  }
0x2af: {  	(v2sf) =	vpush v10, $0x9;
	s11 =	sshrl.u32 s25, $0x1F;
	v51 =	vsel vm9, s16, v51;
	v50 =	vsel vm2, s5, v50;
	s5 =	smov.u32 s17;
	s18 =	sshrl.u32 s15, $0x1F  }
0x2b0: {  	(v2sf) =	vpush v10, $0x8;
	s17 =	sshrl.u32 s17, $0x1F;
	s14 =	sshra.s32 s13, $0x5;
	v51 =	vsel vm0, s20, v51;
	s16 =	sshra.s32 s13, $0x1F;
	v49 =	vsel vm2, s18, v49  }
0x2b1: {  	v52 =	vsel vm0, s3, v52;
	s13 =	sshra.s32 s23, $0x1F;
	s3 =	sshra.s32 s5, $0x5;
	v51 =	vsel vm10, s6, v51;
	s18 =	sshrl.u32 s23, $0x1F;
	v49 =	vsel vm4, s11, v49  }
0x2b2: {  	(v2sf) =	vpush v10, $0xA;
	s6 =	sshra.s32 s25, $0x5;
	s25 =	sshrl.u32 s19, $0x1F;
	v51 =	vsel vm1, s14, v51;
	s11 =	sshrl.u32 s21, $0x1F;
	v49 =	vsel vm5, s18, v49  }
0x2b3: {  	v59 =	vmov s9;
	v53 =	vsel vm11, s16, v51;
	s18 =	sshra.s32 s15, $0x5;
	v49 =	vsel vm6, s11, v49;
	s11 =	sshra.s32 s23, $0x5;
	s23 =	rddreg [dreg:$0x14]  }
0x2b4: {  	v52 =	vsel vm1, s1, v52;
	s14 =	sshra.s32 s21, $0x5;
	s20 =	sshra.s32 s15, $0x1F;
	v58 =	vsel vm2, s18, v53;
	v53 =	vsel vm0, s0, v59;
	s0 =	rddreg [dreg:$0x11]  }
0x2b5: {  	(v2sf) =	vpush v10, $0xB;
	s16 =	sshra.s32 s19, $0x5;
	v51 =	vsel vm2, s4, v52;
	s15 =	sshra.s32 s21, $0x1F;
	v52 =	vsel vm12, s20, v58;
	s20 =	rddreg [dreg:$0x15]  }
0x2b6: {  	(v2sf) =	vpush v10, $0x0;
	s18 =	sshrl.u32 s8, $0x1F;
	s8 =	sshra.s32 s8, $0x5;
	v49 =	vsel vm7, s25, v49;
	s25 =	rddreg [dreg:$0x12]  }
0x2b7: {  	v11 =	vadd.s32 $0x1FA1DED3, v11;
	(v2sf) =	vpush v10, $0x1;
	s19 =	sshrl.u32 s23, $0x1F;
	s1 =	sshra.s32 s23, $0x5;
	v53 =	vsel vm1, s2, v53;
	s2 =	rddreg [dreg:$0x10]  }
0x2b8: {  	(v2sf) =	vpush v10, $0x2;
	s23 =	sshrl.u32 s22, $0x1F;
	v62 =	vmov s18;
	s18 =	sshrl.u32 s31, $0x1F;
	v58 =	vmov s8;
	s8 =	sshra.s32 s28, $0x5  }
0x2b9: {  	(v2sf) =	vpush v10, $0x3;
	v12 =	vcombine.low v14, v12;
	v13 =	vperm.xlane v13, v1;
	s9 =	sshrl.u32 s20, $0x1F;
	s4 =	sshra.s32 s20, $0x5;
	s20 =	sshrl.u32 s25, $0x1F  }
0x2ba: {  	v16 =	vperm.xlane v16, v1;
	v63 =	vcombine.low v18, v15;
	v52 =	vsel vm4, s6, v52;
	s5 =	sshra.s32 s25, $0x5;
	s6 =	sshra.s32 s0, $0x5;
	s21 =	sshrl.u32 s2, $0x1F  }
0x2bb: {  	v19 =	vperm.xlane v19, v1;
	s2 =	sshra.s32 s2, $0x5;
	v61 =	vmov s23;
	s25 =	sshrl.u32 s24, $0x1F;
	s23 =	sshra.s32 s24, $0x5;
	v54 =	vsel vm13, s10, v52  }
0x2bc: {  	v14 =	vperm.xlane v63, v0;
	s24 =	sshra.s32 s24, $0x1F;
	s10 =	sshrl.u32 s0, $0x1F;
	v52 =	vsel vm2, s7, v53;
	s7 =	sshrl.u32 s12, $0x1F;
	v60 =	vsel vm5, s11, v54  }
0x2bd: {  	s0 =	sshra.s32 s12, $0x5;
	v54 =	vnsel vm3, $0x0, v61;
	s11 =	rddreg [dreg:$0xf];
	v56 =	vmov s10;
	s10 =	sshrl.u32 s30, $0x1F;
	v53 =	vsel vm14, s13, v60  }
0x2be: {  	s13 =	sshra.s32 s22, $0x5;
	s22 =	sshra.s32 s22, $0x1F;
	v54 =	vsel vm0, s25, v54;
	s25 =	sshra.s32 s11, $0x5;
	v56 =	vsel vm0, s20, v56;
	v53 =	vsel vm6, s14, v53  }
0x2bf: {  	v25 =	vperm.xlane v25, v1;
	s14 =	sshrl.u32 s11, $0x1F;
	v56 =	vsel vm1, s21, v56;
	v53 =	vsel vm15, s15, v53;
	s15 =	sshra.s32 s11, $0x1F;
	s11 =	rddreg [dreg:$0xe]  }
0x2c0: {  	v14 =	vsel vm8, v16, v14;
	s21 =	sshrl.u32 s29, $0x1F;
	v54 =	vsel vm1, s14, v54;
	v56 =	vsel vm2, s7, v56;
	s7 =	sshra.s32 s30, $0x1F;
	s14 =	sshrl.u32 s11, $0x1F  }
0x2c1: {  	v22 =	vperm.xlane v22, v1;
	v55 =	vsel vm7, s16, v53;
	s16 =	sshra.s32 s11, $0x5;
	s12 =	sshra.s32 s11, $0x1F;
	v53 =	vsel vm0, s17, v62;
	s17 =	spop (v2sf)  }
0x2c2: {  	v34 =	vperm.xlane v34, v1;
	v36 =	vcombine.low v38, v36;
	s11 =	sshra.s32 s31, $0x1F;
	v54 =	vsel vm2, s14, v54;
	s14 =	sshra.s32 s31, $0x5;
	s31 =	sshra.s32 s28, $0x1F  }
0x2c3: {  	v53 =	vsel vm1, s9, v53;
	s20 =	sshra.s32 s17, $0x1F;
	s9 =	sshrl.u32 s28, $0x1F;
	v54 =	vsel vm4, s18, v54;
	s18 =	smulhi.u32 $0x66666667, s17;
	v57 =	vmov s31  }
0x2c4: {  	v38 =	vcombine.low v42, v41;
	s17 =	smul.u32 $0x66666667, s20;
	v54 =	vsel vm5, s10, v54;
	s10 =	spop (v2sf);
	v57 =	vsel vm3, s13, v57;
	s13 =	sshra.s32 s30, $0x5  }
0x2c5: {  	v58 =	vsel vm0, s3, v58;
	v53 =	vsel vm2, s19, v53;
	v54 =	vsel vm6, s21, v54;
	s19 =	smulhi.u32 $0x66666667, s10;
	s20 =	sshra.s32 s10, $0x1F;
	s21 =	spop (v2sf)  }
0x2c6: {  	v41 =	vperm.xlane v37, v1;
	v42 =	vperm.xlane v39, v1;
	v58 =	vsel vm1, s4, v58;
	s10 =	sshra.s32 s29, $0x5;
	s4 =	sadd.s32 s17, s18;
	s3 =	smul.u32 $0x66666667, s20  }
0x2c7: {  	v59 =	vmov s6;
	v57 =	vsel vm9, s22, v57;
	v54 =	vsel vm7, s9, v54;
	s9 =	sshra.s32 s29, $0x1F;
	s22 =	smulhi.u32 $0x66666667, s21;
	s30 =	sshra.s32 s21, $0x1F  }
0x2c8: {  	v61 =	vsel vm0, s5, v59;
	v60 =	vperm.xlane v12, v0;
	v57 =	vsel vm0, s23, v57;
	s29 =	spop (v2sf);
	s20 =	sshrl.u32 s26, $0x1F;
	s23 =	smul.u32 $0x66666667, s30  }
0x2c9: {  	v12 =	vsel vm2, s1, v58;
	v63 =	vsel vm1, s2, v61;
	s26 =	sshra.s32 s26, $0x5;
	v57 =	vsel vm10, s24, v57;
	s31 =	spop (v2sf);
	s6 =	smulhi.u32 $0x66666667, s29  }
0x2ca: {  	v58 =	vcombine.low v29, v23;
	(v2sf) =	vpush v10, $0x4;
	s28 =	sshra.s32 s29, $0x1F;
	v57 =	vsel vm1, s25, v57;
	s24 =	spop (v2sf);
	s17 =	smulhi.u32 $0x66666667, s31  }
0x2cb: {  	v61 =	vcombine.low v33, v31;
	(v2sf) =	vpush v10, $0x5;
	s30 =	sshra.s32 s31, $0x1F;
	s3 =	sadd.s32 s3, s19;
	v57 =	vsel vm11, s15, v57;
	s15 =	smul.u32 $0x66666667, s28  }
0x2cc: {  	v29 =	vcombine.low v26, v20;
	v31 =	vcombine.low v35, v32;
	(v2sf) =	vpush v10, $0x6;
	s25 =	sshrl.u32 s4, $0x1F;
	s29 =	spop (v2sf);
	s31 =	smul.u32 $0x66666667, s30  }
0x2cd: {  	v33 =	vperm.xlane v27, v1;
	(v2sf) =	vpush v10, $0x7;
	v57 =	vsel vm2, s16, v57;
	s16 =	spop (v2sf);
	s28 =	smulhi.u32 $0x66666667, s29;
	s29 =	sshra.s32 s29, $0x1F  }
0x2ce: {  	v13 =	vsel vm8, v13, v60;
	v18 =	vperm.xlane v58, v0;
	(v2sf) =	vpush v11, $0xD;
	s4 =	sshra.s32 s4, $0x5;
	s18 =	spop (v2sf);
	s30 =	smul.u32 $0x66666667, s29  }
0x2cf: {  	v62 =	vcombine.low v21, v17;
	(v2sf) =	vpush v11, $0xC;
	v57 =	vsel vm12, s12, v57;
	s1 =	sadd.s32 s15, s6;
	s6 =	sadd.s32 s31, s17;
	s31 =	smulhi.u32 $0x66666667, s16  }
0x2d0: {  	v13 =	vadd.s32 v13, v14;
	v21 =	vcombine.low v28, v24;
	s5 =	sadd.s32 s23, s22;
	s23 =	sshrl.u32 s3, $0x1F;
	v15 =	vsel vm4, s14, v57;
	s17 =	smulhi.u32 $0x66666667, s18  }
0x2d1: {  	v24 =	vmul.u32 $0x50, v13;
	s3 =	sshra.s32 s3, $0x5;
	(v2sf) =	vpush v11, $0xE;
	s14 =	spop (v2sf);
	v15 =	vsel vm13, s11, v15;
	s11 =	smulhi.u32 $0x66666667, s24  }
0x2d2: {  	v13 =	vsel vm2, s0, v63;
	v63 =	vperm.xlane v30, v1;
	(v2sf) =	vpush v11, $0xF;
	s19 =	sshrl.u32 s1, $0x1F;
	s24 =	sshra.s32 s24, $0x1F;
	s29 =	smulhi.u32 $0x66666667, s14  }
0x2d3: {  	v22 =	vsel vm8, v22, v18;
	v16 =	vperm.xlane v62, v0;
	v14 =	vperm.xlane v21, v0;
	s21 =	sshrl.u32 s6, $0x1F;
	s14 =	sshra.s32 s14, $0x1F;
	s22 =	smul.u32 $0x66666667, s24  }
0x2d4: {  	v21 =	vperm.xlane v61, v0;
	v61 =	vperm.xlane v43, v1;
	s0 =	sadd.s32 s30, s28;
	v15 =	vsel vm5, s13, v15;
	s13 =	sshra.s32 s16, $0x1F;
	s30 =	smul.u32 $0x66666667, s14  }
0x2d5: {  	v12 =	vcombine.low v13, v12;
	v3 =	vsub.s32 v3, v24;
	v28 =	vmov s25;
	s25 =	sshra.s32 s18, $0x1F;
	s12 =	spop (v2sf);
	s16 =	smul.u32 $0x66666667, s13  }
0x2d6: {  	v16 =	vsel vm8, v19, v16;
	v57 =	vsel vm0, s20, v28;
	s24 =	sshrl.u32 s5, $0x1F;
	v15 =	vsel vm14, s7, v15;
	s2 =	sadd.s32 s22, s11;
	s20 =	sadd.s32 s30, s29  }
0x2d7: {  	v14 =	vsel vm8, v25, v14;
	v62 =	vadd.s32 $0x50, v3;
	v15 =	vsel vm6, s10, v15;
	s13 =	sshrl.u32 s2, $0x1F;
	s7 =	sadd.s32 s16, s31;
	s16 =	smul.u32 $0x66666667, s25  }
0x2d8: {  	v23 =	vsel vm8, v63, v21;
	(v2sf) =	vpush v11, $0x9;
	v15 =	vsel vm15, s9, v15;
	s31 =	smulhi.u32 $0x66666667, s12;
	s12 =	sshra.s32 s12, $0x1F;
	s28 =	sshrl.u32 s7, $0x1F  }
0x2d9: {  	v16 =	vadd.s32 v16, v14;
	v17 =	vsel vm1, s23, v57;
	v14 =	vsel vm7, s8, v15;
	s12 =	smul.u32 $0x66666667, s12;
	s22 =	spop (v2sf);
	s16 =	sadd.s32 s16, s17  }
0x2da: {  	v15 =	vsel vm2, s24, v17;
	v60 =	vmov s28;
	s28 =	sshrl.u32 s20, $0x1F;
	s15 =	spop (v2sf);
	(v2sf) =	vpush v11, $0x8;
	s24 =	sshrl.u32 s16, $0x1F  }
0x2db: {  	v21 =	vperm.xlane v31, v0;
	v63 =	vperm.xlane v48, v1;
	s9 =	smulhi.u32 $0x66666667, s22;
	s25 =	sshra.s32 s22, $0x1F;
	s18 =	spop (v2sf);
	(v2sf) =	vpush v11, $0xA  }
0x2dc: {  	v31 =	vcombine.low v50, v45;
	v59 =	vmov s21;
	s21 =	sadd.s32 s12, s31;
	s22 =	smul.u32 $0x66666667, s25;
	s23 =	spop (v2sf);
	(v2sf) =	vpush v11, $0xB  }
0x2dd: {  	v18 =	vadd.s32 v22, v23;
	v16 =	vmul.u32 $0x50, v16;
	s29 =	smulhi.u32 $0x66666667, s15;
	s30 =	sshra.s32 s15, $0x1F;
	s17 =	spop (v2sf);
	(v2sf) =	vpush v11, $0x0  }
0x2de: {  	v17 =	vsel vm0, s19, v59;
	v19 =	vnsel vm3, $0x0, v60;
	s31 =	sshrl.u32 s0, $0x1F;
	s12 =	smul.u32 $0x66666667, s30;
	s14 =	spop (v2sf);
	(v2sf) =	vpush v11, $0x1  }
0x2df: {  	v17 =	vsel vm1, s13, v17;
	v19 =	vsel vm0, s24, v19;
	s24 =	sshrl.u32 s21, $0x1F;
	s25 =	smulhi.u32 $0x66666667, s18;
	s18 =	sshra.s32 s18, $0x1F;
	(v2sf) =	vpush v11, $0x2  }
0x2e0: {  	v2 =	vsub.s32 v2, v16;
	v16 =	vsel vm2, s31, v17;
	s31 =	smulhi.u32 $0x66666667, s23;
	s23 =	sshra.s32 s23, $0x1F;
	s10 =	spop (v2sf);
	(v2sf) =	vpush v11, $0x3  }
0x2e1: {  	v18 =	vmul.u32 $0x50, v18;
	v19 =	vsel vm1, s28, v19;
	s13 =	sadd.s32 s12, s29;
	s29 =	smul.u32 $0x66666667, s18;
	s11 =	spop (v2sf);
	(v2sf) =	vpush v11, $0x4  }
0x2e2: {  	v12 =	vperm.xlane v12, v0;
	v28 =	vmov s4;
	s1 =	sshra.s32 s1, $0x5;
	v19 =	vsel vm2, s24, v19;
	s22 =	sadd.s32 s22, s9;
	s24 =	smul.u32 $0x66666667, s23  }
0x2e3: {  	v23 =	vperm.xlane v38, v0;
	v4 =	vsub.s32 v4, v18;
	v18 =	vsel vm0, s26, v28;
	s26 =	sshra.s32 s16, $0x1F;
	s28 =	sshrl.u32 s22, $0x1F;
	s30 =	sshrl.u32 s13, $0x1F  }
0x2e4: {  	v21 =	vsel vm8, v34, v21;
	v34 =	vperm.xlane v31, v0;
	v43 =	vperm.xlane v54, v1;
	s15 =	sadd.s32 s29, s25;
	s9 =	sadd.s32 s24, s31;
	s29 =	sshra.s32 s5, $0x5  }
0x2e5: {  	v25 =	vadd.s32 $0x50, v2;
	vm13 =	vmmov vm12;
	vm12 =	vmmov vm11;
	s31 =	sshra.s32 s7, $0x5;
	s5 =	sshra.s32 s7, $0x1F;
	s24 =	sshra.s32 s6, $0x5  }
0x2e6: {  	vm11 =	vmmov vm10;
	v18 =	vsel vm1, s3, v18;
	v24 =	vsel vm4, s28, v19;
	s6 =	sshra.s32 s21, $0x1F;
	s25 =	sshrl.u32 s15, $0x1F;
	s28 =	sshrl.u32 s9, $0x1F  }
0x2e7: {  	vm10 =	vmmov vm9;
	v17 =	vsel vm5, s30, v24;
	s30 =	sshra.s32 s9, $0x1F;
	v18 =	vsel vm2, s29, v18;
	s29 =	sshra.s32 s20, $0x1F;
	s23 =	spop (v2sf)  }
0x2e8: {  	vm9 =	vlt.s32 v3, $0x0;
	v17 =	vsel vm6, s25, v17;
	v30 =	vmov s30;
	s25 =	sshra.s32 s16, $0x5;
	s16 =	smulhi.u32 $0x66666667, s17;
	s17 =	sshra.s32 s17, $0x1F  }
0x2e9: {  	v32 =	vadd.s32 $0x50, v4;
	v3 =	vsel vm9, v62, v3;
	s30 =	sshra.s32 s14, $0x1F;
	v20 =	vsel vm3, s31, v30;
	s17 =	smul.u32 $0x66666667, s17;
	s19 =	spop (v2sf)  }
0x2ea: {  	v19 =	vperm.xlane v29, v0;
	v17 =	vsel vm7, s28, v17;
	s28 =	sshra.s32 s20, $0x5;
	s20 =	smulhi.u32 $0x66666667, s14;
	v20 =	vsel vm10, s5, v20;
	s18 =	spop (v2sf)  }
0x2eb: {  	vm9 =	vlt.s32 v2, $0x0;
	v35 =	vmov s24;
	s31 =	sshra.s32 s21, $0x5;
	s24 =	smul.u32 $0x66666667, s30;
	v20 =	vsel vm0, s25, v20;
	s3 =	spop (v2sf)  }
0x2ec: {  	v2 =	vsel vm9, v25, v2;
	v19 =	vsel vm8, v33, v19;
	s14 =	smulhi.u32 $0x66666667, s10;
	s21 =	sshra.s32 s10, $0x1F;
	v20 =	vsel vm11, s26, v20;
	s12 =	spop (v2sf)  }
0x2ed: {  	vm9 =	vlt.s32 v4, $0x0;
	s2 =	sshra.s32 s2, $0x5;
	v19 =	vadd.s32 v19, v21;
	s21 =	smul.u32 $0x66666667, s21;
	v20 =	vsel vm1, s28, v20;
	s8 =	spop (v2sf)  }
0x2ee: {  	v22 =	vsel vm0, s1, v35;
	s25 =	sshra.s32 s22, $0x5;
	s26 =	sshra.s32 s22, $0x1F;
	v20 =	vsel vm12, s29, v20;
	(v2sf) =	vpush v11, $0x5;
	s7 =	spop (v2sf)  }
0x2ef: {  	v19 =	vmul.u32 $0x50, v19;
	s22 =	smulhi.u32 $0x66666667, s11;
	s28 =	sshra.s32 s11, $0x1F;
	v20 =	vsel vm2, s31, v20;
	(v2sf) =	vpush v11, $0x6;
	s4 =	spop (v2sf)  }
0x2f0: {  	s0 =	sshra.s32 s0, $0x5;
	v57 =	vsel vm1, s2, v22;
	s11 =	smul.u32 $0x66666667, s28;
	v20 =	vsel vm13, s6, v20;
	s10 =	spop (v2sf);
	(v2sf) =	vpush v11, $0x7  }
0x2f1: {  	s30 =	sshra.s32 s23, $0x1F;
	v5 =	vsub.s32 v5, v19;
	v19 =	vsel vm2, s0, v57;
	s0 =	sadd.s32 s24, s20;
	v20 =	vsel vm4, s25, v20;
	s25 =	smulhi.u32 $0x66666667, s23  }
0x2f2: {  	v58 =	vsel vm8, v42, v23;
	v4 =	vsel vm9, v32, v4;
	v59 =	vcombine.low v44, v40;
	s1 =	sadd.s32 s17, s16;
	s24 =	sshrl.u32 s0, $0x1F;
	s23 =	smul.u32 $0x66666667, s30  }
0x2f3: {  	vm9 =	vcmask $0x2724;
	v40 =	vcombine.low v56, v53;
	v60 =	vcombine.low v47, v46;
	s2 =	sadd.s32 s21, s14;
	s29 =	sshra.s32 s13, $0x5;
	s20 =	smulhi.u32 $0x66666667, s18  }
0x2f4: {  	v14 =	vperm.xlane v14, v1;
	v15 =	vcombine.low v16, v15;
	s31 =	sshra.s32 s13, $0x1F;
	s13 =	sshra.s32 s19, $0x1F;
	v20 =	vsel vm9, s26, v20;
	s26 =	smulhi.u32 $0x66666667, s19  }
0x2f5: {  	vm14 =	vcmask $0x2724;
	v23 =	vperm.xlane v59, v0;
	v62 =	vperm.xlane v60, v0;
	s0 =	sshra.s32 s0, $0x5;
	s18 =	sshra.s32 s18, $0x1F;
	s19 =	smul.u32 $0x66666667, s13  }
0x2f6: {  	v12 =	vsel vm8, v14, v12;
	v46 =	vperm.xlane v15, v0;
	v33 =	vcombine.low v52, v51;
	s6 =	sshra.s32 s15, $0x5;
	s15 =	sshra.s32 s15, $0x1F;
	s28 =	smul.u32 $0x66666667, s18  }
0x2f7: {  	v23 =	vsel vm8, v61, v23;
	v21 =	vperm.xlane v36, v0;
	v35 =	vperm.xlane v49, v1;
	s30 =	sshrl.u32 s1, $0x1F;
	s13 =	smulhi.u32 $0x66666667, s3;
	s3 =	sshra.s32 s3, $0x1F  }
0x2f8: {  	v36 =	vperm.xlane v55, v1;
	s1 =	sshra.s32 s1, $0x5;
	vm9 =	vcmask $0x2F2C;
	v20 =	vsel vm5, s29, v20;
	s29 =	sshra.s32 s9, $0x5;
	s14 =	smul.u32 $0x66666667, s3  }
0x2f9: {  	v22 =	vsel vm8, v63, v62;
	v21 =	vsel vm8, v41, v21;
	s3 =	sadd.s32 s11, s22;
	v20 =	vsel vm9, s31, v20;
	s31 =	smulhi.u32 $0x66666667, s12;
	s12 =	sshra.s32 s12, $0x1F  }
0x2fa: {  	v30 =	vadd.s32 v23, v22;
	v23 =	vperm.xlane v33, v0;
	v21 =	vadd.s32 v21, v58;
	s9 =	sadd.s32 s23, s25;
	s21 =	sshrl.u32 s3, $0x1F;
	s22 =	smul.u32 $0x66666667, s12  }
0x2fb: {  	v17 =	vperm.xlane v17, v1;
	v21 =	vmul.u32 $0x50, v21;
	v29 =	vmov s24;
	s11 =	sadd.s32 s19, s26;
	s24 =	smulhi.u32 $0x66666667, s8;
	s8 =	sshra.s32 s8, $0x1F  }
0x2fc: {  	v28 =	vadd.s32 $0x50, v5;
	v23 =	vsel vm8, v36, v23;
	v18 =	vcombine.low v19, v18;
	s25 =	sshrl.u32 s9, $0x1F;
	s26 =	smul.u32 $0x66666667, s8;
	s8 =	sadd.s32 s28, s20  }
0x2fd: {  	v6 =	vsub.s32 v6, v21;
	v21 =	vmul.u32 $0x50, v30;
	v20 =	vsel vm6, s6, v20;
	s20 =	smulhi.u32 $0x66666667, s7;
	s7 =	sshra.s32 s7, $0x1F;
	s5 =	spop (v2sf)  }
0x2fe: {  	v14 =	vsel vm8, v17, v46;
	v24 =	vsel vm0, s30, v29;
	v20 =	vsel vm15, s15, v20;
	s15 =	sshrl.u32 s2, $0x1F;
	s30 =	smul.u32 $0x66666667, s7;
	s6 =	spop (v2sf)  }
0x2ff: {  	v50 =	vmov s0;
	v7 =	vsub.s32 v7, v21;
	v21 =	vsel vm8, v35, v34;
	s12 =	sadd.s32 s22, s31;
	s31 =	smulhi.u32 $0x66666667, s4;
	s18 =	spop (v2sf)  }
0x300: {  	v48 =	vperm.xlane v18, v0;
	v32 =	vadd.s32 $0x50, v6;
	v21 =	vadd.s32 v21, v23;
	s28 =	sshrl.u32 s11, $0x1F;
	s23 =	smulhi.u32 $0x66666667, s18;
	s7 =	sshra.s32 s18, $0x1F  }
0x301: {  	v38 =	vadd.s32 $0x50, v7;
	v23 =	vperm.xlane v40, v0;
	v21 =	vmul.u32 $0x50, v21;
	s11 =	sshra.s32 s11, $0x5;
	s4 =	sshra.s32 s4, $0x1F;
	s7 =	smul.u32 $0x66666667, s7  }
0x302: {  	v18 =	vsel vm0, s1, v50;
	v20 =	vsel vm7, s29, v20;
	s29 =	sshrl.u32 s8, $0x1F;
	v39 =	vmov s28;
	s22 =	sadd.s32 s26, s24;
	s26 =	smul.u32 $0x66666667, s4  }
0x303: {  	v44 =	vsel vm8, v43, v23;
	vm9 =	vlt.s32 v5, $0x0;
	v25 =	vsel vm0, s25, v39;
	s24 =	sshrl.u32 s12, $0x1F;
	s28 =	smulhi.u32 $0x66666667, s10;
	s4 =	sadd.s32 s7, s23  }
0x304: {  	v8 =	vsub.s32 v8, v21;
	v12 =	vadd.s32 v44, v12;
	s10 =	sshra.s32 s10, $0x1F;
	v41 =	vsel vm1, s29, v25;
	s25 =	sshrl.u32 s22, $0x1F;
	s29 =	sshra.s32 s4, $0x1F  }
0x305: {  	v5 =	vsel vm9, v28, v5;
	v24 =	vsel vm1, s15, v24;
	s10 =	smul.u32 $0x66666667, s10;
	s15 =	sadd.s32 s26, s31;
	s31 =	sshra.s32 s12, $0x5;
	v45 =	vmov s29  }
0x306: {  	vm9 =	vlt.s32 v6, $0x0;
	v12 =	vmul.u32 $0x50, v12;
	s30 =	sadd.s32 s30, s20;
	s19 =	sshra.s32 s22, $0x5;
	s12 =	sshra.s32 s12, $0x1F;
	v47 =	vsel vm3, s31, v45  }
0x307: {  	v52 =	vadd.s32 $0x50, v8;
	v37 =	vsel vm2, s21, v24;
	s21 =	sshra.s32 s22, $0x1F;
	s17 =	smulhi.u32 $0x66666667, s5;
	s5 =	sshra.s32 s5, $0x1F;
	v15 =	vsel vm10, s12, v47  }
0x308: {  	v6 =	vsel vm9, v32, v6;
	v42 =	vmov s24;
	s16 =	sshrl.u32 s30, $0x1F;
	s10 =	sadd.s32 s10, s28;
	s5 =	smul.u32 $0x66666667, s5;
	v15 =	vsel vm0, s19, v15  }
0x309: {  	vm9 =	vlt.s32 v7, $0x0;
	v16 =	vnsel vm3, $0x0, v42;
	s20 =	sshrl.u32 s15, $0x1F;
	s22 =	smulhi.u32 $0x66666667, s6;
	s23 =	sshra.s32 s30, $0x5;
	v15 =	vsel vm11, s21, v15  }
0x30a: {  	v7 =	vsel vm9, v38, v7;
	v16 =	vsel vm0, s25, v16;
	s6 =	sshra.s32 s6, $0x1F;
	s7 =	sadd.s32 s14, s13;
	s14 =	sshra.s32 s30, $0x1F;
	v15 =	vsel vm1, s23, v15  }
0x30b: {  	vm9 =	vlt.s32 v8, $0x0;
	s26 =	sshra.s32 s15, $0x5;
	v16 =	vsel vm1, s16, v16;
	s25 =	sshrl.u32 s10, $0x1F;
	s6 =	smul.u32 $0x66666667, s6;
	v15 =	vsel vm12, s14, v15  }
0x30c: {  	v51 =	vmov s11;
	s16 =	sshra.s32 s2, $0x5;
	v16 =	vsel vm2, s20, v16;
	s5 =	sadd.s32 s5, s17;
	s29 =	sshra.s32 s15, $0x1F;
	v15 =	vsel vm2, s26, v15  }
0x30d: {  	v49 =	vperm.xlane v20, v1;
	v16 =	vsel vm4, s25, v16;
	s28 =	sshrl.u32 s5, $0x1F;
	s6 =	sadd.s32 s6, s22;
	s31 =	sshra.s32 s10, $0x5;
	v15 =	vsel vm13, s29, v15  }
0x30e: {  	v18 =	vsel vm1, s16, v18;
	v16 =	vsel vm5, s28, v16;
	s30 =	sshrl.u32 s6, $0x1F;
	s24 =	sshrl.u32 s7, $0x1F;
	s10 =	sshra.s32 s10, $0x1F;
	v15 =	vsel vm4, s31, v15  }
0x30f: {  	v16 =	vsel vm6, s30, v16;
	v13 =	vsel vm2, s24, v41;
	s15 =	sshra.s32 s5, $0x5;
	s14 =	sshra.s32 s9, $0x5;
	v15 =	vsel vm14, s10, v15  }
0x310: {  	s17 =	sshra.s32 s8, $0x5;
	s18 =	sshra.s32 s5, $0x1F;
	v19 =	vsel vm0, s14, v51;
	vm14 =	vcmask $0x2F2C;
	v15 =	vsel vm5, s15, v15  }
0x311: {  	s20 =	sshra.s32 s7, $0x5;
	v13 =	vcombine.low v13, v37;
	s19 =	sshra.s32 s3, $0x5;
	s21 =	sshra.s32 s6, $0x5;
	v19 =	vsel vm1, s17, v19;
	v15 =	vsel vm14, s18, v15  }
0x312: {  	s22 =	sshrl.u32 s4, $0x1F;
	v18 =	vsel vm2, s19, v18;
	s23 =	sshra.s32 s6, $0x1F;
	v19 =	vsel vm2, s20, v19;
	v15 =	vsel vm6, s21, v15  }
0x313: {  	s25 =	sshra.s32 s4, $0x5;
	v16 =	vsel vm7, s22, v16;
	v18 =	vcombine.low v19, v18;
	v15 =	vsel vm15, s23, v15  }
0x314: {  	s2 =	simm.s32 $0x200;
	v16 =	vperm.xlane v16, v1;
	v13 =	vperm.xlane v13, v0;
	v15 =	vsel vm7, s25, v15  }
0x315: {  	v17 =	vsel vm8, v49, v48;
	v3 =	vld.idx.msk [tilespmem:v3+s2+$0x0], $0xffff;
	v18 =	vperm.xlane v18, v0;
	v15 =	vperm.xlane v15, v1  }
0x316: {  	v9 =	vsub.s32 v9, v12;
	v8 =	vsel vm9, v52, v8;
	v53 =	vadd.s32 v14, v17;
	v2 =	vld.idx.msk [tilespmem:v2+s2+$0x0], $0xffff  }
0x317: {  	v12 =	vmul.u32 $0x50, v53;
	v13 =	vsel vm8, v16, v13;
	v54 =	vsel vm8, v15, v18  }
0x318: {  	vm9 =	vlt.s32 v9, $0x0;
	v55 =	vadd.s32 $0x50, v9;
	v4 =	vld.idx.msk [tilespmem:v4+s2+$0x0], $0xffff;
	v13 =	vadd.s32 v13, v54  }
0x319: {  	v9 =	vsel vm9, v55, v9;
	v5 =	vld.idx.msk [tilespmem:v5+s2+$0x0], $0xffff;
	v10 =	vsub.s32 v10, v12;
	v56 =	vmul.u32 $0x50, v13  }
0x31a: {  	v7 =	vld.idx.msk [tilespmem:v7+s2+$0x0], $0xffff;
	vm9 =	vlt.s32 v10, $0x0;
	v57 =	vadd.s32 $0x50, v10  }
0x31b: {  	v8 =	vld.idx.msk [tilespmem:v8+s2+$0x0], $0xffff;
	v10 =	vsel vm9, v57, v10;
	v58 =	vadd.f32 v2, v3;
	v11 =	vsub.s32 v11, v56  }
0x31c: {  	v6 =	vld.idx.msk [tilespmem:v6+s2+$0x0], $0xffff;
	vm9 =	vlt.s32 v11, $0x0;
	v59 =	vadd.s32 $0x50, v11  }
0x31d: {  	v12 =	vadd.f32 v4, v58;
	v11 =	vsel vm9, v59, v11  }
0x31e: {  	v9 =	vld.idx.msk [tilespmem:v9+s2+$0x0], $0xffff  }
0x31f: {  	v12 =	vadd.f32 v5, v12  }
0x320: {  	v10 =	vld.idx.msk [tilespmem:v10+s2+$0x0], $0xffff  }
0x321: {  	v60 =	vadd.f32 v8, v7;
	v12 =	vadd.f32 v6, v12  }
0x322: {  	v11 =	vld.idx.msk [tilespmem:v11+s2+$0x0], $0xffff  }
0x323: {  	(erf) = vrcp.f32 v12;
	v13 =	vadd.f32 v9, v60;
	_ =	sdelay $0x1  }
0x324: {  	v61 =	vadd.f32 v10, v13;
	_ =	sdelay $0x1  }
0x325: {  	v12 =	vadd.f32 v11, v61;
	_ =	sdelay $0x1  }
0x326: {  	(erf) = vrcp.f32 v12;
	_ =	sdelay $0x2  }
0x327: {  	v62 =	vpop (erf)  }
0x328: {  	s24 =	rddreg [dreg:$0xb];
	v12 =	vmul.f32 $5.000000000e+00, v62  }
0x329: {  	s26 =	sand.u32 $0xC00, s24  }
0x32a: {  	s28 =	rddreg [dreg:$0xd];
	s0 =	sor.u32 $0x280, s26;
	v3 =	vmul.f32 v12, v3  }
0x32b: {  	s1 =	sor.u32 s28, s0;
	v2 =	vmul.f32 v12, v2  }
0x32c: {  	[tilespmem:s1+$0x0] =	vst v3;
	v3 =	vmul.f32 v12, v4  }
0x32d: {  	[tilespmem:s1+$0x80] =	vst v2;
	v2 =	vmul.f32 v12, v5;
	v63 =	vpop (erf)  }
0x32e: {  	[tilespmem:s1+$0x100] =	vst v3;
	v3 =	vmul.f32 v12, v6;
	v4 =	vmul.f32 $5.000000000e+00, v63  }
0x32f: {  	s29 =	rddreg [dreg:$0x8];
	[tilespmem:s1+$0x180] =	vst v2  }
0x330: {  	s30 =	rddreg [dreg:$0xc];
	[tilespmem:s1+$0x200] =	vst v3;
	s1 =	sadd.s32 $0x2, s29;
	v2 =	vmul.f32 v4, v7  }
0x331: {  	s0 =	sor.u32 s30, s0;
	p0 =	slt.u32 s1, $0x1E;
	v3 =	vmul.f32 v4, v8  }
.Ltmp0:
0x332: {  	[tilespmem:s0+$0x0] =	vst v2;
	v2 =	vmul.f32 v4, v9;
	(pc) =	sbr.rel @p0 .LBB2_2-.Ltmp0, $4  }
0x333: {  	[tilespmem:s0+$0x80] =	vst v3;
	v3 =	vmul.f32 v4, v10  }
0x334: {  	s13 =	rddreg [dreg:$0xa];
	[tilespmem:s0+$0x100] =	vst v2;
	v2 =	vmul.f32 v4, v11  }
0x335: {  	s31 =	rddreg [dreg:$0x9];
	vm14 =	vcmask $0x2F2C;
	vm9 =	vmmov vm10;
	vm10 =	vmmov vm11;
	[tilespmem:s0+$0x180] =	vst v3  }
0x336: {  	s13 =	sadd.s32 $0x20, s13;
	s3 =	sadd.s32 $0x100, s24;
	vm11 =	vmmov vm12;
	vm12 =	vmmov vm13;
	vm13 =	vcmask $0x2724;
	[tilespmem:s0+$0x200] =	vst v2;
	s0 =	sadd.s32 $0x20, s31  }
0x337: {  	s6 =	simm.s32 $0x0;
	s0 =	rddreg [dreg:$0x5];
	s1 =	simm.s32 $0x280  }
0x338: {  	[hbm4b:s0+s6] =	stream.linear.scatter [tilespmem:s1], [sflag:$0x1], $0x1000, $0x38;
	[tilespmem:$0x1280] =	vst v63  }
0x339: {  	s1 =	simm.s32 $0x1  }
0x33a: {  	_ =	swait.ge [sflag:s1], $0x1000  }
0x33b: {  	s3 =	rddreg [dreg:$0x7]  }
0x33c: {  	s31 =	rddreg [dreg:$0x6];
	s3 =	sadd.s32 $0x1, s3  }
0x33d: {  	p0 =	sne.s32 s3, s31  }
.Ltmp1:
0x33e: {  	_ = 	snop;
	(pc) =	sbr.rel @p0 .LBB2_1-.Ltmp1, $3  }
0x33f: {  	_ =	sdelay $0x1  }
0x340: {  	[sflag:s1] =	ssyncset.done $0x0  }
0x341: {  	[sflag:s1] =	ssyncadd.s32 $0xFFFFF000  }
0x342: {  	_ =	sfence.sel $0x180000  }
0x343: {  	[bflag:$0x0] =	sbarrier.arrive $0xFFFF  }
0x344: {  	_ =	strace $0x90000047  }
0x345: {  	s0 =	stileid.u32;
	[bflag:$0x2] =	sbarrier.arrive $0xFFFF  }
0x346: {  	p0 =	sne.s32 s0, $0x0;
	s0 =	rddreg [dreg:$0x3]  }
0x347: {  	s0 =	sadd.s32 @!p0 $0x100000, s0  }
0x348: {  	[sflag:s0] =	ssyncadd.tile.s32 @!p0 $0x1;
	_ =	shalt  }
.Lfunc_end2:
_tile_overlayer_lowered:
.L_overlay_start_2:
0x349: {  	(tag) =	ssettag $0x2  }
0x34a: {  	s0 =	rddreg [dreg:$0x0];
	s2 =	stileid.u32  }
0x34b: {  	s1 =	rddreg [dreg:$0x1];
	p0 =	sne.s32 s2, $0x0  }
0x34c: {  	s3 =	rddreg [dreg:$0x2];
	[bflag:$0x3] =	sbarrier.arrive $0xFFFF;
	s2 =	simm.s32 @!p0 $0x1C01  }
0x34d: {  	[timem:s3], [sflag:s2] =	dma.local @!p0 [hbm:s0], s1  }
0x34e: {  	s0 =	simm.s32 @!p0 $0x1  }
0x34f: {  	_ =	swait.ge @!p0 [sflag:s0], s1  }
0x350: {  	s1 =	ssub.s32 @!p0 $0x0, s1;
	[sflag:s0] =	ssyncset.done @!p0 $0x0  }
0x351: {  	[sflag:s0] =	ssyncadd.s32 @!p0 s1  }
0x352: {  	[bflag:$0x3] =	sbarrier.arrive $0xFFFF  }
0x353: {  	_ =	shalt  }

</sc_bundles>
